<compile_context>
chip_gen: v7x
topology: tpu7x:2x2x1
jax: 0.10.2.dev20260603
libtpu: 0.0.44.dev20260713+nightly
codegen_flags: <defaults>
</compile_context>

<pallas_src>
import functools

import jax
import jax.numpy as jnp
from jax import lax
from jax.experimental import pallas as pl
from jax.experimental.pallas import tpu as pltpu
from jax.experimental.pallas import tpu_sc as plsc

_NC = 2
_NS = 16
_NW = _NC * _NS

_N = 10000
_NPAD = 10240
_E = 320000
_EPAD = 327680
_CH = 128
_NBUF = 5
_ROWS_PER_W = (_EPAD // _CH) // _NW


def _segment_sum(vals, e3, d):
    nch = _ROWS_PER_W
    rows_sub = _NPAD // _NS
    zrows = 128
    nzc = rows_sub // zrows
    n = vals.shape[0]
    dt = vals.dtype
    lanes = 32 if dt == jnp.bfloat16 else 16
    stage = (n * d) <= 200_000
    mesh = plsc.VectorSubcoreMesh(
        core_axis_name="c", subcore_axis_name="s",
        num_cores=_NC, num_subcores=_NS)

    @functools.partial(
        pl.kernel,
        out_type=jax.ShapeDtypeStruct((_NC, _NPAD, d), dt),
        mesh=mesh,
        scratch_types=[
            pltpu.VMEM((nch, _CH), jnp.int32),
            pltpu.VMEM((nch, _CH), jnp.int32),
            pltpu.VMEM((_NBUF, _CH, d), dt),
            pltpu.VMEM((zrows, d), dt),
            pltpu.VMEM_SHARED((_NPAD, d), dt),
        ] + ([pltpu.VMEM_SHARED((n, d), dt)] if stage else [])
          + [pltpu.SemaphoreType.DMA] * (2 * _NBUF),
        compiler_params=pltpu.CompilerParams(use_tc_tiling_on_sc=False),
    )
    def agg(vals_hbm, e_hbm, out_hbm,
            src_v, dst_v, rows_v, zero_v, acc_sh, *rest):
        vals_sh = rest[0] if stage else None
        sems = rest[1:] if stage else rest
        cid = lax.axis_index("c")
        sid = lax.axis_index("s")
        wid = cid * _NS + sid

        def _zrow(i, carry):
            for k in range(d // lanes):
                zero_v[i, pl.ds(lanes * k, lanes)] = jnp.zeros((lanes,), dt)
            return carry
        lax.fori_loop(0, zrows, _zrow, 0)

        def _zcopy(k, carry):
            pltpu.sync_copy(
                zero_v, acc_sh.at[pl.ds(sid * rows_sub + k * zrows, zrows)])
            return carry
        lax.fori_loop(0, nzc, _zcopy, 0)

        pltpu.sync_copy(e_hbm.at[0, pl.ds(wid * nch, nch)], src_v)
        pltpu.sync_copy(e_hbm.at[1, pl.ds(wid * nch, nch)], dst_v)

        if stage:
            pltpu.sync_copy(vals_hbm.at[pl.ds(sid * (n // _NS), n // _NS)],
                            vals_sh.at[pl.ds(sid * (n // _NS), n // _NS)])

        plsc.subcore_barrier()

        gsrc = vals_sh if stage else vals_hbm

        def _gather(j, b):
            return pltpu.make_async_copy(
                gsrc.at[src_v.at[j]], rows_v.at[b], sems[b])

        def _scatter_start(j, b):
            pltpu.async_copy(
                rows_v.at[b], acc_sh.at[dst_v.at[j]], sems[_NBUF + b],
                add=True)

        def _scatter_wait(j, b):
            pltpu.make_async_copy(
                rows_v.at[b], acc_sh.at[dst_v.at[j]], sems[_NBUF + b]).wait()

        for b in range(_NBUF - 1):
            _gather(b, b).start()

        def _group(g, carry):
            for b in range(_NBUF):
                j = g * _NBUF + b
                _gather(j, b).wait()
                nxt = j + _NBUF - 1
                bn = (b + _NBUF - 1) % _NBUF

                @pl.when(j >= 1)
                def _():
                    _scatter_wait(j - 1, bn)

                @pl.when(nxt < nch)
                def _():
                    _gather(nxt, bn).start()

                _scatter_start(j, b)
            return carry
        lax.fori_loop(0, nch // _NBUF, _group, 0)

        _scatter_wait(nch - 1, (nch - 1) % _NBUF)
        plsc.subcore_barrier()
        pltpu.sync_copy(
            acc_sh.at[pl.ds(sid * rows_sub, rows_sub)],
            out_hbm.at[cid, pl.ds(sid * rows_sub, rows_sub)])

    return agg(vals, e3)


def _matmul(x, w1):
    def body(x_ref, w_ref, o_ref):
        x3 = x_ref[...].reshape(5000, 2, 128)
        w = w_ref[...]
        pa = jnp.dot(x3[:, 0, :], w, preferred_element_type=jnp.float32)
        pb = jnp.dot(x3[:, 1, :], w, preferred_element_type=jnp.float32)
        p2 = jnp.concatenate([pa, pb], axis=1).astype(jnp.bfloat16)
        o_ref[...] = jnp.concatenate(
            [p2, jnp.zeros((120, 128), jnp.bfloat16)], axis=0)
    return pl.pallas_call(
        body,
        out_shape=jax.ShapeDtypeStruct((5120, 128), jnp.bfloat16),
    )(x, w1)


def _fused_relu_matmul(p2, a1t, b1b, w2):
    def body(p_ref, a_ref, b_ref, w_ref, o_ref):
        h2 = jnp.maximum(
            p_ref[:5000, :].astype(jnp.float32)
            + a_ref[0, :5000, :].astype(jnp.float32)
            + a_ref[1, :5000, :].astype(jnp.float32) + b_ref[...],
            0.0)
        w = w_ref[...]
        qa = jnp.dot(h2[:, :64], w, preferred_element_type=jnp.float32)
        qb = jnp.dot(h2[:, 64:], w, preferred_element_type=jnp.float32)
        q2 = jnp.concatenate([qa, qb], axis=1)
        o_ref[...] = jnp.concatenate(
            [q2, jnp.zeros((120, 32), jnp.float32)], axis=0)
    return pl.pallas_call(
        body,
        out_shape=jax.ShapeDtypeStruct((5120, 32), jnp.float32),
    )(p2, a1t, b1b, w2)


def _final_add(q8, a2t, b2t):
    def body(q_ref, a_ref, b_ref, o_ref):
        o_ref[...] = (q_ref[:1250, :] + a_ref[0, :1250, :]
                      + a_ref[1, :1250, :] + b_ref[...])
    return pl.pallas_call(
        body,
        out_shape=jax.ShapeDtypeStruct((1250, 128), jnp.float32),
    )(q8, a2t, b2t)


def kernel(x, edge_index, W1, b1, W2, b2):
    h = W1.shape[1]
    c = W2.shape[1]
    npadextra = _EPAD - _E

    pad_iota = jnp.arange(npadextra, dtype=jnp.int32)
    epad = jnp.stack([pad_iota % 256, _N + pad_iota % (_NPAD - _N)])
    e3 = jnp.concatenate([edge_index, epad], axis=1).reshape(2, -1, _CH)

    b1b = jnp.concatenate([b1, b1]).reshape(1, 2 * h)
    b2t = jnp.tile(b2, 8).reshape(1, 128)

    p2 = _matmul(x, W1)
    a1 = _segment_sum(p2.reshape(_NPAD, h), e3, h)
    a1t = a1.reshape(_NC, _NPAD * h // 128, 128)
    qp = _fused_relu_matmul(p2, a1t, b1b, W2)
    qlin = qp.reshape(_NPAD, c)
    a2 = _segment_sum(qlin, e3, c)
    a2t = a2.reshape(_NC, _NPAD * c // 128, 128)
    q8 = qlin.reshape(_NPAD * c // 128, 128)
    out8 = _final_add(q8, a2t, b2t)
    return out8.reshape(_N, c)

# --- scband reference (transcript-rebuilt; emitter-appended) ---
"""Pipeline reference for scband-gin-70196945486004 (READ-ONLY COPY).

The authoritative reference and input builder live on the scoring server;
editing this copy changes nothing except your own understanding.
"""

import jax, jax.numpy as jnp
import numpy as np

N = 10000
E = 320000
F_IN = 128
H = 64
C = 16
EPS = 0.0

def setup_inputs(seed: int = 0) -> dict:
    key = jax.random.key(seed)
    k_x, k_e, k_w1, k_w2 = jax.random.split(key, 4)
    x = jax.random.normal(k_x, (N, F_IN), dtype=jnp.float32)
    edge_index = jax.random.randint(k_e, (2, E), 0, N, dtype=jnp.int32)
    W1 = jax.random.normal(k_w1, (F_IN, H), dtype=jnp.float32) * (1.0 / np.sqrt(F_IN))
    b1 = jnp.zeros((H,), dtype=jnp.float32)
    W2 = jax.random.normal(k_w2, (H, C), dtype=jnp.float32) * (1.0 / np.sqrt(H))
    b2 = jnp.zeros((C,), dtype=jnp.float32)
    return {"x": x, "edge_index": edge_index, "W1": W1, "b1": b1, "W2": W2, "b2": b2}

def _gin_conv(h, src, dst, W, b):
    # sum-aggregate neighbor messages: gather from src, scatter-add to dst
    msgs = h[src]
    agg = jnp.zeros_like(h).at[dst].add(msgs)
    # GINConv with eps=0: apply_func((1+eps)*h + agg)
    return ((1.0 + EPS) * h + agg) @ W + b

def reference(x, edge_index, W1, b1, W2, b2):
    src = edge_index[0]
    dst = edge_index[1]
    h = _gin_conv(x, src, dst, W1, b1)
    h = jax.nn.relu(h)
    out = _gin_conv(h, src, dst, W2, b2)
    return out

if __name__ == "__main__":
    import jax
    _d = setup_inputs()
    print(jax.jit(kernel)(*tuple(_d.values())))

</pallas_src>

<mosaic_0001>
#map = affine_map<(d0, d1) -> (0, 0)>
#map1 = affine_map<(d0, d1) -> (0, 0, 0)>
module attributes {stable_mosaic.version = 14 : i64} {
  func.func @agg(%arg0: i32, %arg1: i32, %arg2: memref<10240x64xbf16, #tpu.memory_space<hbm>>, %arg3: memref<2x2560x128xi32, #tpu.memory_space<hbm>>, %arg4: memref<2x10240x64xbf16, #tpu.memory_space<hbm>>, %arg5: memref<80x128xi32, #tpu.memory_space<vmem>>, %arg6: memref<80x128xi32, #tpu.memory_space<vmem>>, %arg7: memref<5x128x64xbf16, #tpu.memory_space<vmem>>, %arg8: memref<128x64xbf16, #tpu.memory_space<vmem>>, %arg9: memref<10240x64xbf16, #tpu.memory_space<vmem_shared>>, %arg10: memref<!tpu.dma_semaphore, #tpu.memory_space<semaphore_mem>>, %arg11: memref<!tpu.dma_semaphore, #tpu.memory_space<semaphore_mem>>, %arg12: memref<!tpu.dma_semaphore, #tpu.memory_space<semaphore_mem>>, %arg13: memref<!tpu.dma_semaphore, #tpu.memory_space<semaphore_mem>>, %arg14: memref<!tpu.dma_semaphore, #tpu.memory_space<semaphore_mem>>, %arg15: memref<!tpu.dma_semaphore, #tpu.memory_space<semaphore_mem>>, %arg16: memref<!tpu.dma_semaphore, #tpu.memory_space<semaphore_mem>>, %arg17: memref<!tpu.dma_semaphore, #tpu.memory_space<semaphore_mem>>, %arg18: memref<!tpu.dma_semaphore, #tpu.memory_space<semaphore_mem>>, %arg19: memref<!tpu.dma_semaphore, #tpu.memory_space<semaphore_mem>>) attributes {dimension_semantics = [#tpu.dimension_semantics<core_parallel>, #tpu.dimension_semantics<subcore_parallel>], iteration_bounds = array<i64: 2, 16>, scalar_prefetch = 0 : i64, scratch_operands = 15 : i64, tpu.core_type = #tpu.core_type<sc_vector_subcore>, window_params = [{transform_indices = #map}, {transform_indices = #map1}, {transform_indices = #map1}]} {
    %mul3A = arith.constant 16 : i32
    %mul3A_0 = arith.muli %arg0, %mul3A : i32
    %add3A = arith.addi %mul3A_0, %arg1 : i32
    %scan3A = arith.constant 0 : i32
    %scan3A_1 = arith.constant 0 : i32
    %scan3A_2 = arith.constant 128 : i32
    %scan3A_3 = arith.addi %scan3A_1, %scan3A_2 : i32
    %scan3A_4 = arith.constant 1 : i32
    scf.for %scan3A_86 = %scan3A_1 to %scan3A_3 step %scan3A_4  : i32 {
      %broadcast_in_dim3A = arith.constant 0.000000e+00 : bf16
      %broadcast_in_dim3A_87 = vector.broadcast %broadcast_in_dim3A : bf16 to vector<32xbf16>
      %swap3A = arith.index_cast %scan3A_86 : i32 to index
      %swap3A_88 = arith.constant 0 : index
      %swap3A_89 = tpu.vector_load %arg8[%swap3A, %swap3A_88] {strides = array<i32>} : memref<128x64xbf16, #tpu.memory_space<vmem>>, vector<1x32xbf16>,
      %swap3A_90 = vector.shape_cast %swap3A_89 : vector<1x32xbf16> to vector<32xbf16>
      %swap3A_91 = vector.shape_cast %broadcast_in_dim3A_87 : vector<32xbf16> to vector<1x32xbf16>
      tpu.vector_store %arg8[%swap3A, %swap3A_88], %swap3A_91 {strides = array<i32>} : memref<128x64xbf16, #tpu.memory_space<vmem>>, vector<1x32xbf16>,
      %broadcast_in_dim3A_92 = arith.constant 0.000000e+00 : bf16
      %broadcast_in_dim3A_93 = vector.broadcast %broadcast_in_dim3A_92 : bf16 to vector<32xbf16>
      %swap3A_94 = arith.index_cast %scan3A_86 : i32 to index
      %swap3A_95 = arith.constant 32 : index
      %swap3A_96 = tpu.vector_load %arg8[%swap3A_94, %swap3A_95] {strides = array<i32>} : memref<128x64xbf16, #tpu.memory_space<vmem>>, vector<1x32xbf16>,
      %swap3A_97 = vector.shape_cast %swap3A_96 : vector<1x32xbf16> to vector<32xbf16>
      %swap3A_98 = vector.shape_cast %broadcast_in_dim3A_93 : vector<32xbf16> to vector<1x32xbf16>
      tpu.vector_store %arg8[%swap3A_94, %swap3A_95], %swap3A_98 {strides = array<i32>} : memref<128x64xbf16, #tpu.memory_space<vmem>>, vector<1x32xbf16>,
    }
    %scan3A_5 = arith.constant 128 : i32
    %scan3A_6 = arith.constant 0 : i32
    %scan3A_7 = arith.constant 0 : i32
    %scan3A_8 = arith.constant 5 : i32
    %scan3A_9 = arith.addi %scan3A_7, %scan3A_8 : i32
    %scan3A_10 = arith.constant 1 : i32
    scf.for %scan3A_86 = %scan3A_7 to %scan3A_9 step %scan3A_10  : i32 {
      %mul3A_87 = arith.constant 640 : i32
      %mul3A_88 = arith.muli %arg1, %mul3A_87 : i32
      %mul3A_89 = arith.constant 128 : i32
      %mul3A_90 = arith.muli %scan3A_86, %mul3A_89 : i32
      %add3A_91 = arith.addi %mul3A_88, %mul3A_90 : i32
      "tpu.region"() ({
        %run_scoped3A_92 = tpu.sem_alloc : memref<!tpu.dma_semaphore, #tpu.memory_space<semaphore_mem>>
        %dma_start3A_93 = arith.constant 0 : i32
        %dma_start3A_94 = tpu.memref_slice %arg9[%add3A_91, %dma_start3A_93] : memref<10240x64xbf16, #tpu.memory_space<vmem_shared>> -> memref<128x64xbf16, #tpu.memory_space<vmem_shared>>
        %dma_start3A_95 = arith.constant 0 : i32
        %dma_start3A_96 = tpu.memref_slice %arg9[%add3A_91, %dma_start3A_95] : memref<10240x64xbf16, #tpu.memory_space<vmem_shared>> -> memref<128x64xbf16, #tpu.memory_space<vmem_shared>>
        tpu.enqueue_dma source(%arg8 : memref<128x64xbf16, #tpu.memory_space<vmem>>) target(%dma_start3A_96 : memref<128x64xbf16, #tpu.memory_space<vmem_shared>>) target_semaphore(%run_scoped3A_92 : memref<!tpu.dma_semaphore, #tpu.memory_space<semaphore_mem>>)
        %dma_wait3A_97 = arith.constant 0 : i32
        %dma_wait3A_98 = tpu.memref_slice %arg9[%add3A_91, %dma_wait3A_97] : memref<10240x64xbf16, #tpu.memory_space<vmem_shared>> -> memref<128x64xbf16, #tpu.memory_space<vmem_shared>>
        %dma_wait3A_99 = arith.constant 0 : i32
        %dma_wait3A_100 = tpu.memref_slice %arg9[%add3A_91, %dma_wait3A_99] : memref<10240x64xbf16, #tpu.memory_space<vmem_shared>> -> memref<128x64xbf16, #tpu.memory_space<vmem_shared>>
        tpu.wait_dma2 semaphore(%run_scoped3A_92 : memref<!tpu.dma_semaphore, #tpu.memory_space<semaphore_mem>>) src(%arg8 : memref<128x64xbf16, #tpu.memory_space<vmem>>) dst(%dma_wait3A_100 : memref<128x64xbf16, #tpu.memory_space<vmem_shared>>)
        tpu.yield
      }) : () -> ()
    }
    %scan3A_11 = arith.constant 5 : i32
    %mul3A_12 = arith.constant 80 : i32
    %mul3A_13 = arith.muli %add3A, %mul3A_12 : i32
    %run_scoped3A = arith.constant 0 : i32
    "tpu.region"() ({
      %run_scoped3A_86 = tpu.sem_alloc : memref<!tpu.dma_semaphore, #tpu.memory_space<semaphore_mem>>
      %dma_start3A_87 = arith.constant 0 : i32
      %dma_start3A_88 = tpu.memref_slice %arg3[%run_scoped3A, %mul3A_13, %dma_start3A_87] : memref<2x2560x128xi32, #tpu.memory_space<hbm>> -> memref<1x80x128xi32, #tpu.memory_space<hbm>>
      %dma_start3A_89 = tpu.memref_squeeze %dma_start3A_88 : memref<1x80x128xi32, #tpu.memory_space<hbm>> -> memref<80x128xi32, #tpu.memory_space<hbm>>
      %dma_start3A_90 = arith.constant 0 : i32
      %dma_start3A_91 = tpu.memref_slice %arg3[%run_scoped3A, %mul3A_13, %dma_start3A_90] : memref<2x2560x128xi32, #tpu.memory_space<hbm>> -> memref<1x80x128xi32, #tpu.memory_space<hbm>>
      %dma_start3A_92 = tpu.memref_squeeze %dma_start3A_91 : memref<1x80x128xi32, #tpu.memory_space<hbm>> -> memref<80x128xi32, #tpu.memory_space<hbm>>
      tpu.enqueue_dma source(%dma_start3A_92 : memref<80x128xi32, #tpu.memory_space<hbm>>) target(%arg5 : memref<80x128xi32, #tpu.memory_space<vmem>>) target_semaphore(%run_scoped3A_86 : memref<!tpu.dma_semaphore, #tpu.memory_space<semaphore_mem>>)
      %dma_wait3A_93 = arith.constant 0 : i32
      %dma_wait3A_94 = tpu.memref_slice %arg3[%run_scoped3A, %mul3A_13, %dma_wait3A_93] : memref<2x2560x128xi32, #tpu.memory_space<hbm>> -> memref<1x80x128xi32, #tpu.memory_space<hbm>>
      %dma_wait3A_95 = tpu.memref_squeeze %dma_wait3A_94 : memref<1x80x128xi32, #tpu.memory_space<hbm>> -> memref<80x128xi32, #tpu.memory_space<hbm>>
      %dma_wait3A_96 = arith.constant 0 : i32
      %dma_wait3A_97 = tpu.memref_slice %arg3[%run_scoped3A, %mul3A_13, %dma_wait3A_96] : memref<2x2560x128xi32, #tpu.memory_space<hbm>> -> memref<1x80x128xi32, #tpu.memory_space<hbm>>
      %dma_wait3A_98 = tpu.memref_squeeze %dma_wait3A_97 : memref<1x80x128xi32, #tpu.memory_space<hbm>> -> memref<80x128xi32, #tpu.memory_space<hbm>>
      tpu.wait_dma2 semaphore(%run_scoped3A_86 : memref<!tpu.dma_semaphore, #tpu.memory_space<semaphore_mem>>) src(%dma_wait3A_98 : memref<80x128xi32, #tpu.memory_space<hbm>>) dst(%arg5 : memref<80x128xi32, #tpu.memory_space<vmem>>)
      tpu.yield
    }) : () -> ()
    %mul3A_14 = arith.constant 80 : i32
    %mul3A_15 = arith.muli %add3A, %mul3A_14 : i32
    %run_scoped3A_16 = arith.constant 1 : i32
    "tpu.region"() ({
      %run_scoped3A_86 = tpu.sem_alloc : memref<!tpu.dma_semaphore, #tpu.memory_space<semaphore_mem>>
      %dma_start3A_87 = arith.constant 0 : i32
      %dma_start3A_88 = tpu.memref_slice %arg3[%run_scoped3A_16, %mul3A_15, %dma_start3A_87] : memref<2x2560x128xi32, #tpu.memory_space<hbm>> -> memref<1x80x128xi32, #tpu.memory_space<hbm>>
      %dma_start3A_89 = tpu.memref_squeeze %dma_start3A_88 : memref<1x80x128xi32, #tpu.memory_space<hbm>> -> memref<80x128xi32, #tpu.memory_space<hbm>>
      %dma_start3A_90 = arith.constant 0 : i32
      %dma_start3A_91 = tpu.memref_slice %arg3[%run_scoped3A_16, %mul3A_15, %dma_start3A_90] : memref<2x2560x128xi32, #tpu.memory_space<hbm>> -> memref<1x80x128xi32, #tpu.memory_space<hbm>>
      %dma_start3A_92 = tpu.memref_squeeze %dma_start3A_91 : memref<1x80x128xi32, #tpu.memory_space<hbm>> -> memref<80x128xi32, #tpu.memory_space<hbm>>
      tpu.enqueue_dma source(%dma_start3A_92 : memref<80x128xi32, #tpu.memory_space<hbm>>) target(%arg6 : memref<80x128xi32, #tpu.memory_space<vmem>>) target_semaphore(%run_scoped3A_86 : memref<!tpu.dma_semaphore, #tpu.memory_space<semaphore_mem>>)
      %dma_wait3A_93 = arith.constant 0 : i32
      %dma_wait3A_94 = tpu.memref_slice %arg3[%run_scoped3A_16, %mul3A_15, %dma_wait3A_93] : memref<2x2560x128xi32, #tpu.memory_space<hbm>> -> memref<1x80x128xi32, #tpu.memory_space<hbm>>
      %dma_wait3A_95 = tpu.memref_squeeze %dma_wait3A_94 : memref<1x80x128xi32, #tpu.memory_space<hbm>> -> memref<80x128xi32, #tpu.memory_space<hbm>>
      %dma_wait3A_96 = arith.constant 0 : i32
      %dma_wait3A_97 = tpu.memref_slice %arg3[%run_scoped3A_16, %mul3A_15, %dma_wait3A_96] : memref<2x2560x128xi32, #tpu.memory_space<hbm>> -> memref<1x80x128xi32, #tpu.memory_space<hbm>>
      %dma_wait3A_98 = tpu.memref_squeeze %dma_wait3A_97 : memref<1x80x128xi32, #tpu.memory_space<hbm>> -> memref<80x128xi32, #tpu.memory_space<hbm>>
      tpu.wait_dma2 semaphore(%run_scoped3A_86 : memref<!tpu.dma_semaphore, #tpu.memory_space<semaphore_mem>>) src(%dma_wait3A_98 : memref<80x128xi32, #tpu.memory_space<hbm>>) dst(%arg6 : memref<80x128xi32, #tpu.memory_space<vmem>>)
      tpu.yield
    }) : () -> ()
    %barrier3A = arith.constant 0 : index
    tpu.barrier barrier_id(%barrier3A)
    %dma_start3A = arith.constant 0 : i32
    %dma_start3A_17 = arith.constant 0 : i32
    %dma_start3A_18 = arith.constant 0 : i32
    %dma_start3A_19 = arith.constant 0 : i32
    %dma_start3A_20 = tpu.memref_slice %arg7[%dma_start3A_17, %dma_start3A_18, %dma_start3A_19] : memref<5x128x64xbf16, #tpu.memory_space<vmem>> -> memref<1x128x64xbf16, #tpu.memory_space<vmem>>
    %dma_start3A_21 = tpu.memref_squeeze %dma_start3A_20 : memref<1x128x64xbf16, #tpu.memory_space<vmem>> -> memref<128x64xbf16, #tpu.memory_space<vmem>>
    %dma_start3A_22 = arith.constant 0 : i32
    %dma_start3A_23 = tpu.memref_slice %arg5[%dma_start3A, %dma_start3A_22] : memref<80x128xi32, #tpu.memory_space<vmem>> -> memref<1x128xi32, #tpu.memory_space<vmem>>
    %dma_start3A_24 = tpu.memref_squeeze %dma_start3A_23 : memref<1x128xi32, #tpu.memory_space<vmem>> -> memref<128xi32, #tpu.memory_space<vmem>>
    %dma_start3A_25 = arith.constant 0 : i32
    %dma_start3A_26 = arith.constant 0 : i32
    %dma_start3A_27 = tpu.memref_slice %arg2[%dma_start3A_25, %dma_start3A_26] : memref<10240x64xbf16, #tpu.memory_space<hbm>> -> memref<10240x64xbf16, #tpu.memory_space<hbm>>
    tpu.enqueue_indirect_dma source(%dma_start3A_27 : memref<10240x64xbf16, #tpu.memory_space<hbm>>) target(%dma_start3A_21 : memref<128x64xbf16, #tpu.memory_space<vmem>>) offsets(%dma_start3A_24 : memref<128xi32, #tpu.memory_space<vmem>>) semaphore(%arg10 : memref<!tpu.dma_semaphore, #tpu.memory_space<semaphore_mem>>)
    %dma_start3A_28 = arith.constant 1 : i32
    %dma_start3A_29 = arith.constant 1 : i32
    %dma_start3A_30 = arith.constant 0 : i32
    %dma_start3A_31 = arith.constant 0 : i32
    %dma_start3A_32 = tpu.memref_slice %arg7[%dma_start3A_29, %dma_start3A_30, %dma_start3A_31] : memref<5x128x64xbf16, #tpu.memory_space<vmem>> -> memref<1x128x64xbf16, #tpu.memory_space<vmem>>
    %dma_start3A_33 = tpu.memref_squeeze %dma_start3A_32 : memref<1x128x64xbf16, #tpu.memory_space<vmem>> -> memref<128x64xbf16, #tpu.memory_space<vmem>>
    %dma_start3A_34 = arith.constant 0 : i32
    %dma_start3A_35 = tpu.memref_slice %arg5[%dma_start3A_28, %dma_start3A_34] : memref<80x128xi32, #tpu.memory_space<vmem>> -> memref<1x128xi32, #tpu.memory_space<vmem>>
    %dma_start3A_36 = tpu.memref_squeeze %dma_start3A_35 : memref<1x128xi32, #tpu.memory_space<vmem>> -> memref<128xi32, #tpu.memory_space<vmem>>
    %dma_start3A_37 = arith.constant 0 : i32
    %dma_start3A_38 = arith.constant 0 : i32
    %dma_start3A_39 = tpu.memref_slice %arg2[%dma_start3A_37, %dma_start3A_38] : memref<10240x64xbf16, #tpu.memory_space<hbm>> -> memref<10240x64xbf16, #tpu.memory_space<hbm>>
    tpu.enqueue_indirect_dma source(%dma_start3A_39 : memref<10240x64xbf16, #tpu.memory_space<hbm>>) target(%dma_start3A_33 : memref<128x64xbf16, #tpu.memory_space<vmem>>) offsets(%dma_start3A_36 : memref<128xi32, #tpu.memory_space<vmem>>) semaphore(%arg11 : memref<!tpu.dma_semaphore, #tpu.memory_space<semaphore_mem>>)
    %dma_start3A_40 = arith.constant 2 : i32
    %dma_start3A_41 = arith.constant 2 : i32
    %dma_start3A_42 = arith.constant 0 : i32
    %dma_start3A_43 = arith.constant 0 : i32
    %dma_start3A_44 = tpu.memref_slice %arg7[%dma_start3A_41, %dma_start3A_42, %dma_start3A_43] : memref<5x128x64xbf16, #tpu.memory_space<vmem>> -> memref<1x128x64xbf16, #tpu.memory_space<vmem>>
    %dma_start3A_45 = tpu.memref_squeeze %dma_start3A_44 : memref<1x128x64xbf16, #tpu.memory_space<vmem>> -> memref<128x64xbf16, #tpu.memory_space<vmem>>
    %dma_start3A_46 = arith.constant 0 : i32
    %dma_start3A_47 = tpu.memref_slice %arg5[%dma_start3A_40, %dma_start3A_46] : memref<80x128xi32, #tpu.memory_space<vmem>> -> memref<1x128xi32, #tpu.memory_space<vmem>>
    %dma_start3A_48 = tpu.memref_squeeze %dma_start3A_47 : memref<1x128xi32, #tpu.memory_space<vmem>> -> memref<128xi32, #tpu.memory_space<vmem>>
    %dma_start3A_49 = arith.constant 0 : i32
    %dma_start3A_50 = arith.constant 0 : i32
    %dma_start3A_51 = tpu.memref_slice %arg2[%dma_start3A_49, %dma_start3A_50] : memref<10240x64xbf16, #tpu.memory_space<hbm>> -> memref<10240x64xbf16, #tpu.memory_space<hbm>>
    tpu.enqueue_indirect_dma source(%dma_start3A_51 : memref<10240x64xbf16, #tpu.memory_space<hbm>>) target(%dma_start3A_45 : memref<128x64xbf16, #tpu.memory_space<vmem>>) offsets(%dma_start3A_48 : memref<128xi32, #tpu.memory_space<vmem>>) semaphore(%arg12 : memref<!tpu.dma_semaphore, #tpu.memory_space<semaphore_mem>>)
    %dma_start3A_52 = arith.constant 3 : i32
    %dma_start3A_53 = arith.constant 3 : i32
    %dma_start3A_54 = arith.constant 0 : i32
    %dma_start3A_55 = arith.constant 0 : i32
    %dma_start3A_56 = tpu.memref_slice %arg7[%dma_start3A_53, %dma_start3A_54, %dma_start3A_55] : memref<5x128x64xbf16, #tpu.memory_space<vmem>> -> memref<1x128x64xbf16, #tpu.memory_space<vmem>>
    %dma_start3A_57 = tpu.memref_squeeze %dma_start3A_56 : memref<1x128x64xbf16, #tpu.memory_space<vmem>> -> memref<128x64xbf16, #tpu.memory_space<vmem>>
    %dma_start3A_58 = arith.constant 0 : i32
    %dma_start3A_59 = tpu.memref_slice %arg5[%dma_start3A_52, %dma_start3A_58] : memref<80x128xi32, #tpu.memory_space<vmem>> -> memref<1x128xi32, #tpu.memory_space<vmem>>
    %dma_start3A_60 = tpu.memref_squeeze %dma_start3A_59 : memref<1x128xi32, #tpu.memory_space<vmem>> -> memref<128xi32, #tpu.memory_space<vmem>>
    %dma_start3A_61 = arith.constant 0 : i32
    %dma_start3A_62 = arith.constant 0 : i32
    %dma_start3A_63 = tpu.memref_slice %arg2[%dma_start3A_61, %dma_start3A_62] : memref<10240x64xbf16, #tpu.memory_space<hbm>> -> memref<10240x64xbf16, #tpu.memory_space<hbm>>
    tpu.enqueue_indirect_dma source(%dma_start3A_63 : memref<10240x64xbf16, #tpu.memory_space<hbm>>) target(%dma_start3A_57 : memref<128x64xbf16, #tpu.memory_space<vmem>>) offsets(%dma_start3A_60 : memref<128xi32, #tpu.memory_space<vmem>>) semaphore(%arg13 : memref<!tpu.dma_semaphore, #tpu.memory_space<semaphore_mem>>)
    %scan3A_64 = arith.constant 0 : i32
    %scan3A_65 = arith.constant 0 : i32
    %scan3A_66 = arith.constant 16 : i32
    %scan3A_67 = arith.addi %scan3A_65, %scan3A_66 : i32
    %scan3A_68 = arith.constant 1 : i32
    scf.for %scan3A_86 = %scan3A_65 to %scan3A_67 step %scan3A_68  : i32 {
      %mul3A_87 = arith.constant 5 : i32
      %mul3A_88 = arith.muli %scan3A_86, %mul3A_87 : i32
      %add3A_89 = arith.constant 0 : i32
      %add3A_90 = arith.addi %mul3A_88, %add3A_89 : i32
      %dma_wait3A_91 = arith.constant 0 : i32
      %dma_wait3A_92 = arith.constant 0 : i32
      %dma_wait3A_93 = arith.constant 0 : i32
      %dma_wait3A_94 = tpu.memref_slice %arg7[%dma_wait3A_91, %dma_wait3A_92, %dma_wait3A_93] : memref<5x128x64xbf16, #tpu.memory_space<vmem>> -> memref<1x128x64xbf16, #tpu.memory_space<vmem>>
      %dma_wait3A_95 = tpu.memref_squeeze %dma_wait3A_94 : memref<1x128x64xbf16, #tpu.memory_space<vmem>> -> memref<128x64xbf16, #tpu.memory_space<vmem>>
      %dma_wait3A_96 = arith.constant 0 : i32
      %dma_wait3A_97 = tpu.memref_slice %arg5[%add3A_90, %dma_wait3A_96] : memref<80x128xi32, #tpu.memory_space<vmem>> -> memref<1x128xi32, #tpu.memory_space<vmem>>
      %dma_wait3A_98 = tpu.memref_squeeze %dma_wait3A_97 : memref<1x128xi32, #tpu.memory_space<vmem>> -> memref<128xi32, #tpu.memory_space<vmem>>
      %dma_wait3A_99 = arith.constant 0 : i32
      %dma_wait3A_100 = arith.constant 0 : i32
      %dma_wait3A_101 = tpu.memref_slice %arg2[%dma_wait3A_99, %dma_wait3A_100] : memref<10240x64xbf16, #tpu.memory_space<hbm>> -> memref<10240x64xbf16, #tpu.memory_space<hbm>>
      tpu.wait_indirect_dma semaphore(%arg10 : memref<!tpu.dma_semaphore, #tpu.memory_space<semaphore_mem>>) src(%dma_wait3A_101 : memref<10240x64xbf16, #tpu.memory_space<hbm>>) dst(%dma_wait3A_95 : memref<128x64xbf16, #tpu.memory_space<vmem>>)
      %add3A_102 = arith.constant 5 : i32
      %add3A_103 = arith.addi %add3A_90, %add3A_102 : i32
      %sub3A = arith.constant 1 : i32
      %sub3A_104 = arith.subi %add3A_103, %sub3A : i32
      %ge3A = arith.constant 1 : i32
      %ge3A_105 = arith.cmpi sge, %add3A_90, %ge3A : i32
      %convert_element_type3A = arith.extui %ge3A_105 : i1 to i32
      %cond3A = arith.constant 0 : i32
      %cond3A_106 = arith.cmpi ne, %convert_element_type3A, %cond3A : i32
      scf.if %cond3A_106 {
        %sub3A_282 = arith.constant 1 : i32
        %sub3A_283 = arith.subi %add3A_90, %sub3A_282 : i32
        %dma_wait3A_284 = arith.constant 4 : i32
        %dma_wait3A_285 = arith.constant 0 : i32
        %dma_wait3A_286 = arith.constant 0 : i32
        %dma_wait3A_287 = tpu.memref_slice %arg7[%dma_wait3A_284, %dma_wait3A_285, %dma_wait3A_286] : memref<5x128x64xbf16, #tpu.memory_space<vmem>> -> memref<1x128x64xbf16, #tpu.memory_space<vmem>>
        %dma_wait3A_288 = tpu.memref_squeeze %dma_wait3A_287 : memref<1x128x64xbf16, #tpu.memory_space<vmem>> -> memref<128x64xbf16, #tpu.memory_space<vmem>>
        %dma_wait3A_289 = arith.constant 0 : i32
        %dma_wait3A_290 = tpu.memref_slice %arg6[%sub3A_283, %dma_wait3A_289] : memref<80x128xi32, #tpu.memory_space<vmem>> -> memref<1x128xi32, #tpu.memory_space<vmem>>
        %dma_wait3A_291 = tpu.memref_squeeze %dma_wait3A_290 : memref<1x128xi32, #tpu.memory_space<vmem>> -> memref<128xi32, #tpu.memory_space<vmem>>
        %dma_wait3A_292 = arith.constant 0 : i32
        %dma_wait3A_293 = arith.constant 0 : i32
        %dma_wait3A_294 = tpu.memref_slice %arg9[%dma_wait3A_292, %dma_wait3A_293] : memref<10240x64xbf16, #tpu.memory_space<vmem_shared>> -> memref<10240x64xbf16, #tpu.memory_space<vmem_shared>>
        tpu.wait_indirect_dma semaphore(%arg19 : memref<!tpu.dma_semaphore, #tpu.memory_space<semaphore_mem>>) src(%dma_wait3A_288 : memref<128x64xbf16, #tpu.memory_space<vmem>>) dst(%dma_wait3A_294 : memref<10240x64xbf16, #tpu.memory_space<vmem_shared>>)
      } else {
      }
      %lt3A = arith.constant 80 : i32
      %lt3A_107 = arith.cmpi slt, %sub3A_104, %lt3A : i32
      %convert_element_type3A_108 = arith.extui %lt3A_107 : i1 to i32
      %cond3A_109 = arith.constant 0 : i32
      %cond3A_110 = arith.cmpi ne, %convert_element_type3A_108, %cond3A_109 : i32
      scf.if %cond3A_110 {
        %dma_start3A_282 = arith.constant 4 : i32
        %dma_start3A_283 = arith.constant 0 : i32
        %dma_start3A_284 = arith.constant 0 : i32
        %dma_start3A_285 = tpu.memref_slice %arg7[%dma_start3A_282, %dma_start3A_283, %dma_start3A_284] : memref<5x128x64xbf16, #tpu.memory_space<vmem>> -> memref<1x128x64xbf16, #tpu.memory_space<vmem>>
        %dma_start3A_286 = tpu.memref_squeeze %dma_start3A_285 : memref<1x128x64xbf16, #tpu.memory_space<vmem>> -> memref<128x64xbf16, #tpu.memory_space<vmem>>
        %dma_start3A_287 = arith.constant 0 : i32
        %dma_start3A_288 = tpu.memref_slice %arg5[%sub3A_104, %dma_start3A_287] : memref<80x128xi32, #tpu.memory_space<vmem>> -> memref<1x128xi32, #tpu.memory_space<vmem>>
        %dma_start3A_289 = tpu.memref_squeeze %dma_start3A_288 : memref<1x128xi32, #tpu.memory_space<vmem>> -> memref<128xi32, #tpu.memory_space<vmem>>
        %dma_start3A_290 = arith.constant 0 : i32
        %dma_start3A_291 = arith.constant 0 : i32
        %dma_start3A_292 = tpu.memref_slice %arg2[%dma_start3A_290, %dma_start3A_291] : memref<10240x64xbf16, #tpu.memory_space<hbm>> -> memref<10240x64xbf16, #tpu.memory_space<hbm>>
        tpu.enqueue_indirect_dma source(%dma_start3A_292 : memref<10240x64xbf16, #tpu.memory_space<hbm>>) target(%dma_start3A_286 : memref<128x64xbf16, #tpu.memory_space<vmem>>) offsets(%dma_start3A_289 : memref<128xi32, #tpu.memory_space<vmem>>) semaphore(%arg14 : memref<!tpu.dma_semaphore, #tpu.memory_space<semaphore_mem>>)
      } else {
      }
      %dma_start3A_111 = arith.constant 0 : i32
      %dma_start3A_112 = arith.constant 0 : i32
      %dma_start3A_113 = arith.constant 0 : i32
      %dma_start3A_114 = tpu.memref_slice %arg7[%dma_start3A_111, %dma_start3A_112, %dma_start3A_113] : memref<5x128x64xbf16, #tpu.memory_space<vmem>> -> memref<1x128x64xbf16, #tpu.memory_space<vmem>>
      %dma_start3A_115 = tpu.memref_squeeze %dma_start3A_114 : memref<1x128x64xbf16, #tpu.memory_space<vmem>> -> memref<128x64xbf16, #tpu.memory_space<vmem>>
      %dma_start3A_116 = arith.constant 0 : i32
      %dma_start3A_117 = tpu.memref_slice %arg6[%add3A_90, %dma_start3A_116] : memref<80x128xi32, #tpu.memory_space<vmem>> -> memref<1x128xi32, #tpu.memory_space<vmem>>
      %dma_start3A_118 = tpu.memref_squeeze %dma_start3A_117 : memref<1x128xi32, #tpu.memory_space<vmem>> -> memref<128xi32, #tpu.memory_space<vmem>>
      %dma_start3A_119 = arith.constant 0 : i32
      %dma_start3A_120 = arith.constant 0 : i32
      %dma_start3A_121 = tpu.memref_slice %arg9[%dma_start3A_119, %dma_start3A_120] : memref<10240x64xbf16, #tpu.memory_space<vmem_shared>> -> memref<10240x64xbf16, #tpu.memory_space<vmem_shared>>
      tpu.enqueue_indirect_dma source(%dma_start3A_115 : memref<128x64xbf16, #tpu.memory_space<vmem>>) target(%dma_start3A_121 : memref<10240x64xbf16, #tpu.memory_space<vmem_shared>>) offsets(%dma_start3A_118 : memref<128xi32, #tpu.memory_space<vmem>>) semaphore(%arg15 : memref<!tpu.dma_semaphore, #tpu.memory_space<semaphore_mem>>) {add = true}
      %mul3A_122 = arith.constant 5 : i32
      %mul3A_123 = arith.muli %scan3A_86, %mul3A_122 : i32
      %add3A_124 = arith.constant 1 : i32
      %add3A_125 = arith.addi %mul3A_123, %add3A_124 : i32
      %dma_wait3A_126 = arith.constant 1 : i32
      %dma_wait3A_127 = arith.constant 0 : i32
      %dma_wait3A_128 = arith.constant 0 : i32
      %dma_wait3A_129 = tpu.memref_slice %arg7[%dma_wait3A_126, %dma_wait3A_127, %dma_wait3A_128] : memref<5x128x64xbf16, #tpu.memory_space<vmem>> -> memref<1x128x64xbf16, #tpu.memory_space<vmem>>
      %dma_wait3A_130 = tpu.memref_squeeze %dma_wait3A_129 : memref<1x128x64xbf16, #tpu.memory_space<vmem>> -> memref<128x64xbf16, #tpu.memory_space<vmem>>
      %dma_wait3A_131 = arith.constant 0 : i32
      %dma_wait3A_132 = tpu.memref_slice %arg5[%add3A_125, %dma_wait3A_131] : memref<80x128xi32, #tpu.memory_space<vmem>> -> memref<1x128xi32, #tpu.memory_space<vmem>>
      %dma_wait3A_133 = tpu.memref_squeeze %dma_wait3A_132 : memref<1x128xi32, #tpu.memory_space<vmem>> -> memref<128xi32, #tpu.memory_space<vmem>>
      %dma_wait3A_134 = arith.constant 0 : i32
      %dma_wait3A_135 = arith.constant 0 : i32
      %dma_wait3A_136 = tpu.memref_slice %arg2[%dma_wait3A_134, %dma_wait3A_135] : memref<10240x64xbf16, #tpu.memory_space<hbm>> -> memref<10240x64xbf16, #tpu.memory_space<hbm>>
      tpu.wait_indirect_dma semaphore(%arg11 : memref<!tpu.dma_semaphore, #tpu.memory_space<semaphore_mem>>) src(%dma_wait3A_136 : memref<10240x64xbf16, #tpu.memory_space<hbm>>) dst(%dma_wait3A_130 : memref<128x64xbf16, #tpu.memory_space<vmem>>)
      %add3A_137 = arith.constant 5 : i32
      %add3A_138 = arith.addi %add3A_125, %add3A_137 : i32
      %sub3A_139 = arith.constant 1 : i32
      %sub3A_140 = arith.subi %add3A_138, %sub3A_139 : i32
      %ge3A_141 = arith.constant 1 : i32
      %ge3A_142 = arith.cmpi sge, %add3A_125, %ge3A_141 : i32
      %convert_element_type3A_143 = arith.extui %ge3A_142 : i1 to i32
      %cond3A_144 = arith.constant 0 : i32
      %cond3A_145 = arith.cmpi ne, %convert_element_type3A_143, %cond3A_144 : i32
      scf.if %cond3A_145 {
        %sub3A_282 = arith.constant 1 : i32
        %sub3A_283 = arith.subi %add3A_125, %sub3A_282 : i32
        %dma_wait3A_284 = arith.constant 0 : i32
        %dma_wait3A_285 = arith.constant 0 : i32
        %dma_wait3A_286 = arith.constant 0 : i32
        %dma_wait3A_287 = tpu.memref_slice %arg7[%dma_wait3A_284, %dma_wait3A_285, %dma_wait3A_286] : memref<5x128x64xbf16, #tpu.memory_space<vmem>> -> memref<1x128x64xbf16, #tpu.memory_space<vmem>>
        %dma_wait3A_288 = tpu.memref_squeeze %dma_wait3A_287 : memref<1x128x64xbf16, #tpu.memory_space<vmem>> -> memref<128x64xbf16, #tpu.memory_space<vmem>>
        %dma_wait3A_289 = arith.constant 0 : i32
        %dma_wait3A_290 = tpu.memref_slice %arg6[%sub3A_283, %dma_wait3A_289] : memref<80x128xi32, #tpu.memory_space<vmem>> -> memref<1x128xi32, #tpu.memory_space<vmem>>
        %dma_wait3A_291 = tpu.memref_squeeze %dma_wait3A_290 : memref<1x128xi32, #tpu.memory_space<vmem>> -> memref<128xi32, #tpu.memory_space<vmem>>
        %dma_wait3A_292 = arith.constant 0 : i32
        %dma_wait3A_293 = arith.constant 0 : i32
        %dma_wait3A_294 = tpu.memref_slice %arg9[%dma_wait3A_292, %dma_wait3A_293] : memref<10240x64xbf16, #tpu.memory_space<vmem_shared>> -> memref<10240x64xbf16, #tpu.memory_space<vmem_shared>>
        tpu.wait_indirect_dma semaphore(%arg15 : memref<!tpu.dma_semaphore, #tpu.memory_space<semaphore_mem>>) src(%dma_wait3A_288 : memref<128x64xbf16, #tpu.memory_space<vmem>>) dst(%dma_wait3A_294 : memref<10240x64xbf16, #tpu.memory_space<vmem_shared>>)
      } else {
      }
      %lt3A_146 = arith.constant 80 : i32
      %lt3A_147 = arith.cmpi slt, %sub3A_140, %lt3A_146 : i32
      %convert_element_type3A_148 = arith.extui %lt3A_147 : i1 to i32
      %cond3A_149 = arith.constant 0 : i32
      %cond3A_150 = arith.cmpi ne, %convert_element_type3A_148, %cond3A_149 : i32
      scf.if %cond3A_150 {
        %dma_start3A_282 = arith.constant 0 : i32
        %dma_start3A_283 = arith.constant 0 : i32
        %dma_start3A_284 = arith.constant 0 : i32
        %dma_start3A_285 = tpu.memref_slice %arg7[%dma_start3A_282, %dma_start3A_283, %dma_start3A_284] : memref<5x128x64xbf16, #tpu.memory_space<vmem>> -> memref<1x128x64xbf16, #tpu.memory_space<vmem>>
        %dma_start3A_286 = tpu.memref_squeeze %dma_start3A_285 : memref<1x128x64xbf16, #tpu.memory_space<vmem>> -> memref<128x64xbf16, #tpu.memory_space<vmem>>
        %dma_start3A_287 = arith.constant 0 : i32
        %dma_start3A_288 = tpu.memref_slice %arg5[%sub3A_140, %dma_start3A_287] : memref<80x128xi32, #tpu.memory_space<vmem>> -> memref<1x128xi32, #tpu.memory_space<vmem>>
        %dma_start3A_289 = tpu.memref_squeeze %dma_start3A_288 : memref<1x128xi32, #tpu.memory_space<vmem>> -> memref<128xi32, #tpu.memory_space<vmem>>
        %dma_start3A_290 = arith.constant 0 : i32
        %dma_start3A_291 = arith.constant 0 : i32
        %dma_start3A_292 = tpu.memref_slice %arg2[%dma_start3A_290, %dma_start3A_291] : memref<10240x64xbf16, #tpu.memory_space<hbm>> -> memref<10240x64xbf16, #tpu.memory_space<hbm>>
        tpu.enqueue_indirect_dma source(%dma_start3A_292 : memref<10240x64xbf16, #tpu.memory_space<hbm>>) target(%dma_start3A_286 : memref<128x64xbf16, #tpu.memory_space<vmem>>) offsets(%dma_start3A_289 : memref<128xi32, #tpu.memory_space<vmem>>) semaphore(%arg10 : memref<!tpu.dma_semaphore, #tpu.memory_space<semaphore_mem>>)
      } else {
      }
      %dma_start3A_151 = arith.constant 1 : i32
      %dma_start3A_152 = arith.constant 0 : i32
      %dma_start3A_153 = arith.constant 0 : i32
      %dma_start3A_154 = tpu.memref_slice %arg7[%dma_start3A_151, %dma_start3A_152, %dma_start3A_153] : memref<5x128x64xbf16, #tpu.memory_space<vmem>> -> memref<1x128x64xbf16, #tpu.memory_space<vmem>>
      %dma_start3A_155 = tpu.memref_squeeze %dma_start3A_154 : memref<1x128x64xbf16, #tpu.memory_space<vmem>> -> memref<128x64xbf16, #tpu.memory_space<vmem>>
      %dma_start3A_156 = arith.constant 0 : i32
      %dma_start3A_157 = tpu.memref_slice %arg6[%add3A_125, %dma_start3A_156] : memref<80x128xi32, #tpu.memory_space<vmem>> -> memref<1x128xi32, #tpu.memory_space<vmem>>
      %dma_start3A_158 = tpu.memref_squeeze %dma_start3A_157 : memref<1x128xi32, #tpu.memory_space<vmem>> -> memref<128xi32, #tpu.memory_space<vmem>>
      %dma_start3A_159 = arith.constant 0 : i32
      %dma_start3A_160 = arith.constant 0 : i32
      %dma_start3A_161 = tpu.memref_slice %arg9[%dma_start3A_159, %dma_start3A_160] : memref<10240x64xbf16, #tpu.memory_space<vmem_shared>> -> memref<10240x64xbf16, #tpu.memory_space<vmem_shared>>
      tpu.enqueue_indirect_dma source(%dma_start3A_155 : memref<128x64xbf16, #tpu.memory_space<vmem>>) target(%dma_start3A_161 : memref<10240x64xbf16, #tpu.memory_space<vmem_shared>>) offsets(%dma_start3A_158 : memref<128xi32, #tpu.memory_space<vmem>>) semaphore(%arg16 : memref<!tpu.dma_semaphore, #tpu.memory_space<semaphore_mem>>) {add = true}
      %mul3A_162 = arith.constant 5 : i32
      %mul3A_163 = arith.muli %scan3A_86, %mul3A_162 : i32
      %add3A_164 = arith.constant 2 : i32
      %add3A_165 = arith.addi %mul3A_163, %add3A_164 : i32
      %dma_wait3A_166 = arith.constant 2 : i32
      %dma_wait3A_167 = arith.constant 0 : i32
      %dma_wait3A_168 = arith.constant 0 : i32
      %dma_wait3A_169 = tpu.memref_slice %arg7[%dma_wait3A_166, %dma_wait3A_167, %dma_wait3A_168] : memref<5x128x64xbf16, #tpu.memory_space<vmem>> -> memref<1x128x64xbf16, #tpu.memory_space<vmem>>
      %dma_wait3A_170 = tpu.memref_squeeze %dma_wait3A_169 : memref<1x128x64xbf16, #tpu.memory_space<vmem>> -> memref<128x64xbf16, #tpu.memory_space<vmem>>
      %dma_wait3A_171 = arith.constant 0 : i32
      %dma_wait3A_172 = tpu.memref_slice %arg5[%add3A_165, %dma_wait3A_171] : memref<80x128xi32, #tpu.memory_space<vmem>> -> memref<1x128xi32, #tpu.memory_space<vmem>>
      %dma_wait3A_173 = tpu.memref_squeeze %dma_wait3A_172 : memref<1x128xi32, #tpu.memory_space<vmem>> -> memref<128xi32, #tpu.memory_space<vmem>>
      %dma_wait3A_174 = arith.constant 0 : i32
      %dma_wait3A_175 = arith.constant 0 : i32
      %dma_wait3A_176 = tpu.memref_slice %arg2[%dma_wait3A_174, %dma_wait3A_175] : memref<10240x64xbf16, #tpu.memory_space<hbm>> -> memref<10240x64xbf16, #tpu.memory_space<hbm>>
      tpu.wait_indirect_dma semaphore(%arg12 : memref<!tpu.dma_semaphore, #tpu.memory_space<semaphore_mem>>) src(%dma_wait3A_176 : memref<10240x64xbf16, #tpu.memory_space<hbm>>) dst(%dma_wait3A_170 : memref<128x64xbf16, #tpu.memory_space<vmem>>)
      %add3A_177 = arith.constant 5 : i32
      %add3A_178 = arith.addi %add3A_165, %add3A_177 : i32
      %sub3A_179 = arith.constant 1 : i32
      %sub3A_180 = arith.subi %add3A_178, %sub3A_179 : i32
      %ge3A_181 = arith.constant 1 : i32
      %ge3A_182 = arith.cmpi sge, %add3A_165, %ge3A_181 : i32
      %convert_element_type3A_183 = arith.extui %ge3A_182 : i1 to i32
      %cond3A_184 = arith.constant 0 : i32
      %cond3A_185 = arith.cmpi ne, %convert_element_type3A_183, %cond3A_184 : i32
      scf.if %cond3A_185 {
        %sub3A_282 = arith.constant 1 : i32
        %sub3A_283 = arith.subi %add3A_165, %sub3A_282 : i32
        %dma_wait3A_284 = arith.constant 1 : i32
        %dma_wait3A_285 = arith.constant 0 : i32
        %dma_wait3A_286 = arith.constant 0 : i32
        %dma_wait3A_287 = tpu.memref_slice %arg7[%dma_wait3A_284, %dma_wait3A_285, %dma_wait3A_286] : memref<5x128x64xbf16, #tpu.memory_space<vmem>> -> memref<1x128x64xbf16, #tpu.memory_space<vmem>>
        %dma_wait3A_288 = tpu.memref_squeeze %dma_wait3A_287 : memref<1x128x64xbf16, #tpu.memory_space<vmem>> -> memref<128x64xbf16, #tpu.memory_space<vmem>>
        %dma_wait3A_289 = arith.constant 0 : i32
        %dma_wait3A_290 = tpu.memref_slice %arg6[%sub3A_283, %dma_wait3A_289] : memref<80x128xi32, #tpu.memory_space<vmem>> -> memref<1x128xi32, #tpu.memory_space<vmem>>
        %dma_wait3A_291 = tpu.memref_squeeze %dma_wait3A_290 : memref<1x128xi32, #tpu.memory_space<vmem>> -> memref<128xi32, #tpu.memory_space<vmem>>
        %dma_wait3A_292 = arith.constant 0 : i32
        %dma_wait3A_293 = arith.constant 0 : i32
        %dma_wait3A_294 = tpu.memref_slice %arg9[%dma_wait3A_292, %dma_wait3A_293] : memref<10240x64xbf16, #tpu.memory_space<vmem_shared>> -> memref<10240x64xbf16, #tpu.memory_space<vmem_shared>>
        tpu.wait_indirect_dma semaphore(%arg16 : memref<!tpu.dma_semaphore, #tpu.memory_space<semaphore_mem>>) src(%dma_wait3A_288 : memref<128x64xbf16, #tpu.memory_space<vmem>>) dst(%dma_wait3A_294 : memref<10240x64xbf16, #tpu.memory_space<vmem_shared>>)
      } else {
      }
      %lt3A_186 = arith.constant 80 : i32
      %lt3A_187 = arith.cmpi slt, %sub3A_180, %lt3A_186 : i32
      %convert_element_type3A_188 = arith.extui %lt3A_187 : i1 to i32
      %cond3A_189 = arith.constant 0 : i32
      %cond3A_190 = arith.cmpi ne, %convert_element_type3A_188, %cond3A_189 : i32
      scf.if %cond3A_190 {
        %dma_start3A_282 = arith.constant 1 : i32
        %dma_start3A_283 = arith.constant 0 : i32
        %dma_start3A_284 = arith.constant 0 : i32
        %dma_start3A_285 = tpu.memref_slice %arg7[%dma_start3A_282, %dma_start3A_283, %dma_start3A_284] : memref<5x128x64xbf16, #tpu.memory_space<vmem>> -> memref<1x128x64xbf16, #tpu.memory_space<vmem>>
        %dma_start3A_286 = tpu.memref_squeeze %dma_start3A_285 : memref<1x128x64xbf16, #tpu.memory_space<vmem>> -> memref<128x64xbf16, #tpu.memory_space<vmem>>
        %dma_start3A_287 = arith.constant 0 : i32
        %dma_start3A_288 = tpu.memref_slice %arg5[%sub3A_180, %dma_start3A_287] : memref<80x128xi32, #tpu.memory_space<vmem>> -> memref<1x128xi32, #tpu.memory_space<vmem>>
        %dma_start3A_289 = tpu.memref_squeeze %dma_start3A_288 : memref<1x128xi32, #tpu.memory_space<vmem>> -> memref<128xi32, #tpu.memory_space<vmem>>
        %dma_start3A_290 = arith.constant 0 : i32
        %dma_start3A_291 = arith.constant 0 : i32
        %dma_start3A_292 = tpu.memref_slice %arg2[%dma_start3A_290, %dma_start3A_291] : memref<10240x64xbf16, #tpu.memory_space<hbm>> -> memref<10240x64xbf16, #tpu.memory_space<hbm>>
        tpu.enqueue_indirect_dma source(%dma_start3A_292 : memref<10240x64xbf16, #tpu.memory_space<hbm>>) target(%dma_start3A_286 : memref<128x64xbf16, #tpu.memory_space<vmem>>) offsets(%dma_start3A_289 : memref<128xi32, #tpu.memory_space<vmem>>) semaphore(%arg11 : memref<!tpu.dma_semaphore, #tpu.memory_space<semaphore_mem>>)
      } else {
      }
      %dma_start3A_191 = arith.constant 2 : i32
      %dma_start3A_192 = arith.constant 0 : i32
      %dma_start3A_193 = arith.constant 0 : i32
      %dma_start3A_194 = tpu.memref_slice %arg7[%dma_start3A_191, %dma_start3A_192, %dma_start3A_193] : memref<5x128x64xbf16, #tpu.memory_space<vmem>> -> memref<1x128x64xbf16, #tpu.memory_space<vmem>>
      %dma_start3A_195 = tpu.memref_squeeze %dma_start3A_194 : memref<1x128x64xbf16, #tpu.memory_space<vmem>> -> memref<128x64xbf16, #tpu.memory_space<vmem>>
      %dma_start3A_196 = arith.constant 0 : i32
      %dma_start3A_197 = tpu.memref_slice %arg6[%add3A_165, %dma_start3A_196] : memref<80x128xi32, #tpu.memory_space<vmem>> -> memref<1x128xi32, #tpu.memory_space<vmem>>
      %dma_start3A_198 = tpu.memref_squeeze %dma_start3A_197 : memref<1x128xi32, #tpu.memory_space<vmem>> -> memref<128xi32, #tpu.memory_space<vmem>>
      %dma_start3A_199 = arith.constant 0 : i32
      %dma_start3A_200 = arith.constant 0 : i32
      %dma_start3A_201 = tpu.memref_slice %arg9[%dma_start3A_199, %dma_start3A_200] : memref<10240x64xbf16, #tpu.memory_space<vmem_shared>> -> memref<10240x64xbf16, #tpu.memory_space<vmem_shared>>
      tpu.enqueue_indirect_dma source(%dma_start3A_195 : memref<128x64xbf16, #tpu.memory_space<vmem>>) target(%dma_start3A_201 : memref<10240x64xbf16, #tpu.memory_space<vmem_shared>>) offsets(%dma_start3A_198 : memref<128xi32, #tpu.memory_space<vmem>>) semaphore(%arg17 : memref<!tpu.dma_semaphore, #tpu.memory_space<semaphore_mem>>) {add = true}
      %mul3A_202 = arith.constant 5 : i32
      %mul3A_203 = arith.muli %scan3A_86, %mul3A_202 : i32
      %add3A_204 = arith.constant 3 : i32
      %add3A_205 = arith.addi %mul3A_203, %add3A_204 : i32
      %dma_wait3A_206 = arith.constant 3 : i32
      %dma_wait3A_207 = arith.constant 0 : i32
      %dma_wait3A_208 = arith.constant 0 : i32
      %dma_wait3A_209 = tpu.memref_slice %arg7[%dma_wait3A_206, %dma_wait3A_207, %dma_wait3A_208] : memref<5x128x64xbf16, #tpu.memory_space<vmem>> -> memref<1x128x64xbf16, #tpu.memory_space<vmem>>
      %dma_wait3A_210 = tpu.memref_squeeze %dma_wait3A_209 : memref<1x128x64xbf16, #tpu.memory_space<vmem>> -> memref<128x64xbf16, #tpu.memory_space<vmem>>
      %dma_wait3A_211 = arith.constant 0 : i32
      %dma_wait3A_212 = tpu.memref_slice %arg5[%add3A_205, %dma_wait3A_211] : memref<80x128xi32, #tpu.memory_space<vmem>> -> memref<1x128xi32, #tpu.memory_space<vmem>>
      %dma_wait3A_213 = tpu.memref_squeeze %dma_wait3A_212 : memref<1x128xi32, #tpu.memory_space<vmem>> -> memref<128xi32, #tpu.memory_space<vmem>>
      %dma_wait3A_214 = arith.constant 0 : i32
      %dma_wait3A_215 = arith.constant 0 : i32
      %dma_wait3A_216 = tpu.memref_slice %arg2[%dma_wait3A_214, %dma_wait3A_215] : memref<10240x64xbf16, #tpu.memory_space<hbm>> -> memref<10240x64xbf16, #tpu.memory_space<hbm>>
      tpu.wait_indirect_dma semaphore(%arg13 : memref<!tpu.dma_semaphore, #tpu.memory_space<semaphore_mem>>) src(%dma_wait3A_216 : memref<10240x64xbf16, #tpu.memory_space<hbm>>) dst(%dma_wait3A_210 : memref<128x64xbf16, #tpu.memory_space<vmem>>)
      %add3A_217 = arith.constant 5 : i32
      %add3A_218 = arith.addi %add3A_205, %add3A_217 : i32
      %sub3A_219 = arith.constant 1 : i32
      %sub3A_220 = arith.subi %add3A_218, %sub3A_219 : i32
      %ge3A_221 = arith.constant 1 : i32
      %ge3A_222 = arith.cmpi sge, %add3A_205, %ge3A_221 : i32
      %convert_element_type3A_223 = arith.extui %ge3A_222 : i1 to i32
      %cond3A_224 = arith.constant 0 : i32
      %cond3A_225 = arith.cmpi ne, %convert_element_type3A_223, %cond3A_224 : i32
      scf.if %cond3A_225 {
        %sub3A_282 = arith.constant 1 : i32
        %sub3A_283 = arith.subi %add3A_205, %sub3A_282 : i32
        %dma_wait3A_284 = arith.constant 2 : i32
        %dma_wait3A_285 = arith.constant 0 : i32
        %dma_wait3A_286 = arith.constant 0 : i32
        %dma_wait3A_287 = tpu.memref_slice %arg7[%dma_wait3A_284, %dma_wait3A_285, %dma_wait3A_286] : memref<5x128x64xbf16, #tpu.memory_space<vmem>> -> memref<1x128x64xbf16, #tpu.memory_space<vmem>>
        %dma_wait3A_288 = tpu.memref_squeeze %dma_wait3A_287 : memref<1x128x64xbf16, #tpu.memory_space<vmem>> -> memref<128x64xbf16, #tpu.memory_space<vmem>>
        %dma_wait3A_289 = arith.constant 0 : i32
        %dma_wait3A_290 = tpu.memref_slice %arg6[%sub3A_283, %dma_wait3A_289] : memref<80x128xi32, #tpu.memory_space<vmem>> -> memref<1x128xi32, #tpu.memory_space<vmem>>
        %dma_wait3A_291 = tpu.memref_squeeze %dma_wait3A_290 : memref<1x128xi32, #tpu.memory_space<vmem>> -> memref<128xi32, #tpu.memory_space<vmem>>
        %dma_wait3A_292 = arith.constant 0 : i32
        %dma_wait3A_293 = arith.constant 0 : i32
        %dma_wait3A_294 = tpu.memref_slice %arg9[%dma_wait3A_292, %dma_wait3A_293] : memref<10240x64xbf16, #tpu.memory_space<vmem_shared>> -> memref<10240x64xbf16, #tpu.memory_space<vmem_shared>>
        tpu.wait_indirect_dma semaphore(%arg17 : memref<!tpu.dma_semaphore, #tpu.memory_space<semaphore_mem>>) src(%dma_wait3A_288 : memref<128x64xbf16, #tpu.memory_space<vmem>>) dst(%dma_wait3A_294 : memref<10240x64xbf16, #tpu.memory_space<vmem_shared>>)
      } else {
      }
      %lt3A_226 = arith.constant 80 : i32
      %lt3A_227 = arith.cmpi slt, %sub3A_220, %lt3A_226 : i32
      %convert_element_type3A_228 = arith.extui %lt3A_227 : i1 to i32
      %cond3A_229 = arith.constant 0 : i32
      %cond3A_230 = arith.cmpi ne, %convert_element_type3A_228, %cond3A_229 : i32
      scf.if %cond3A_230 {
        %dma_start3A_282 = arith.constant 2 : i32
        %dma_start3A_283 = arith.constant 0 : i32
        %dma_start3A_284 = arith.constant 0 : i32
        %dma_start3A_285 = tpu.memref_slice %arg7[%dma_start3A_282, %dma_start3A_283, %dma_start3A_284] : memref<5x128x64xbf16, #tpu.memory_space<vmem>> -> memref<1x128x64xbf16, #tpu.memory_space<vmem>>
        %dma_start3A_286 = tpu.memref_squeeze %dma_start3A_285 : memref<1x128x64xbf16, #tpu.memory_space<vmem>> -> memref<128x64xbf16, #tpu.memory_space<vmem>>
        %dma_start3A_287 = arith.constant 0 : i32
        %dma_start3A_288 = tpu.memref_slice %arg5[%sub3A_220, %dma_start3A_287] : memref<80x128xi32, #tpu.memory_space<vmem>> -> memref<1x128xi32, #tpu.memory_space<vmem>>
        %dma_start3A_289 = tpu.memref_squeeze %dma_start3A_288 : memref<1x128xi32, #tpu.memory_space<vmem>> -> memref<128xi32, #tpu.memory_space<vmem>>
        %dma_start3A_290 = arith.constant 0 : i32
        %dma_start3A_291 = arith.constant 0 : i32
        %dma_start3A_292 = tpu.memref_slice %arg2[%dma_start3A_290, %dma_start3A_291] : memref<10240x64xbf16, #tpu.memory_space<hbm>> -> memref<10240x64xbf16, #tpu.memory_space<hbm>>
        tpu.enqueue_indirect_dma source(%dma_start3A_292 : memref<10240x64xbf16, #tpu.memory_space<hbm>>) target(%dma_start3A_286 : memref<128x64xbf16, #tpu.memory_space<vmem>>) offsets(%dma_start3A_289 : memref<128xi32, #tpu.memory_space<vmem>>) semaphore(%arg12 : memref<!tpu.dma_semaphore, #tpu.memory_space<semaphore_mem>>)
      } else {
      }
      %dma_start3A_231 = arith.constant 3 : i32
      %dma_start3A_232 = arith.constant 0 : i32
      %dma_start3A_233 = arith.constant 0 : i32
      %dma_start3A_234 = tpu.memref_slice %arg7[%dma_start3A_231, %dma_start3A_232, %dma_start3A_233] : memref<5x128x64xbf16, #tpu.memory_space<vmem>> -> memref<1x128x64xbf16, #tpu.memory_space<vmem>>
      %dma_start3A_235 = tpu.memref_squeeze %dma_start3A_234 : memref<1x128x64xbf16, #tpu.memory_space<vmem>> -> memref<128x64xbf16, #tpu.memory_space<vmem>>
      %dma_start3A_236 = arith.constant 0 : i32
      %dma_start3A_237 = tpu.memref_slice %arg6[%add3A_205, %dma_start3A_236] : memref<80x128xi32, #tpu.memory_space<vmem>> -> memref<1x128xi32, #tpu.memory_space<vmem>>
      %dma_start3A_238 = tpu.memref_squeeze %dma_start3A_237 : memref<1x128xi32, #tpu.memory_space<vmem>> -> memref<128xi32, #tpu.memory_space<vmem>>
      %dma_start3A_239 = arith.constant 0 : i32
      %dma_start3A_240 = arith.constant 0 : i32
      %dma_start3A_241 = tpu.memref_slice %arg9[%dma_start3A_239, %dma_start3A_240] : memref<10240x64xbf16, #tpu.memory_space<vmem_shared>> -> memref<10240x64xbf16, #tpu.memory_space<vmem_shared>>
      tpu.enqueue_indirect_dma source(%dma_start3A_235 : memref<128x64xbf16, #tpu.memory_space<vmem>>) target(%dma_start3A_241 : memref<10240x64xbf16, #tpu.memory_space<vmem_shared>>) offsets(%dma_start3A_238 : memref<128xi32, #tpu.memory_space<vmem>>) semaphore(%arg18 : memref<!tpu.dma_semaphore, #tpu.memory_space<semaphore_mem>>) {add = true}
      %mul3A_242 = arith.constant 5 : i32
      %mul3A_243 = arith.muli %scan3A_86, %mul3A_242 : i32
      %add3A_244 = arith.constant 4 : i32
      %add3A_245 = arith.addi %mul3A_243, %add3A_244 : i32
      %dma_wait3A_246 = arith.constant 4 : i32
      %dma_wait3A_247 = arith.constant 0 : i32
      %dma_wait3A_248 = arith.constant 0 : i32
      %dma_wait3A_249 = tpu.memref_slice %arg7[%dma_wait3A_246, %dma_wait3A_247, %dma_wait3A_248] : memref<5x128x64xbf16, #tpu.memory_space<vmem>> -> memref<1x128x64xbf16, #tpu.memory_space<vmem>>
      %dma_wait3A_250 = tpu.memref_squeeze %dma_wait3A_249 : memref<1x128x64xbf16, #tpu.memory_space<vmem>> -> memref<128x64xbf16, #tpu.memory_space<vmem>>
      %dma_wait3A_251 = arith.constant 0 : i32
      %dma_wait3A_252 = tpu.memref_slice %arg5[%add3A_245, %dma_wait3A_251] : memref<80x128xi32, #tpu.memory_space<vmem>> -> memref<1x128xi32, #tpu.memory_space<vmem>>
      %dma_wait3A_253 = tpu.memref_squeeze %dma_wait3A_252 : memref<1x128xi32, #tpu.memory_space<vmem>> -> memref<128xi32, #tpu.memory_space<vmem>>
      %dma_wait3A_254 = arith.constant 0 : i32
      %dma_wait3A_255 = arith.constant 0 : i32
      %dma_wait3A_256 = tpu.memref_slice %arg2[%dma_wait3A_254, %dma_wait3A_255] : memref<10240x64xbf16, #tpu.memory_space<hbm>> -> memref<10240x64xbf16, #tpu.memory_space<hbm>>
      tpu.wait_indirect_dma semaphore(%arg14 : memref<!tpu.dma_semaphore, #tpu.memory_space<semaphore_mem>>) src(%dma_wait3A_256 : memref<10240x64xbf16, #tpu.memory_space<hbm>>) dst(%dma_wait3A_250 : memref<128x64xbf16, #tpu.memory_space<vmem>>)
      %add3A_257 = arith.constant 5 : i32
      %add3A_258 = arith.addi %add3A_245, %add3A_257 : i32
      %sub3A_259 = arith.constant 1 : i32
      %sub3A_260 = arith.subi %add3A_258, %sub3A_259 : i32
      %ge3A_261 = arith.constant 1 : i32
      %ge3A_262 = arith.cmpi sge, %add3A_245, %ge3A_261 : i32
      %convert_element_type3A_263 = arith.extui %ge3A_262 : i1 to i32
      %cond3A_264 = arith.constant 0 : i32
      %cond3A_265 = arith.cmpi ne, %convert_element_type3A_263, %cond3A_264 : i32
      scf.if %cond3A_265 {
        %sub3A_282 = arith.constant 1 : i32
        %sub3A_283 = arith.subi %add3A_245, %sub3A_282 : i32
        %dma_wait3A_284 = arith.constant 3 : i32
        %dma_wait3A_285 = arith.constant 0 : i32
        %dma_wait3A_286 = arith.constant 0 : i32
        %dma_wait3A_287 = tpu.memref_slice %arg7[%dma_wait3A_284, %dma_wait3A_285, %dma_wait3A_286] : memref<5x128x64xbf16, #tpu.memory_space<vmem>> -> memref<1x128x64xbf16, #tpu.memory_space<vmem>>
        %dma_wait3A_288 = tpu.memref_squeeze %dma_wait3A_287 : memref<1x128x64xbf16, #tpu.memory_space<vmem>> -> memref<128x64xbf16, #tpu.memory_space<vmem>>
        %dma_wait3A_289 = arith.constant 0 : i32
        %dma_wait3A_290 = tpu.memref_slice %arg6[%sub3A_283, %dma_wait3A_289] : memref<80x128xi32, #tpu.memory_space<vmem>> -> memref<1x128xi32, #tpu.memory_space<vmem>>
        %dma_wait3A_291 = tpu.memref_squeeze %dma_wait3A_290 : memref<1x128xi32, #tpu.memory_space<vmem>> -> memref<128xi32, #tpu.memory_space<vmem>>
        %dma_wait3A_292 = arith.constant 0 : i32
        %dma_wait3A_293 = arith.constant 0 : i32
        %dma_wait3A_294 = tpu.memref_slice %arg9[%dma_wait3A_292, %dma_wait3A_293] : memref<10240x64xbf16, #tpu.memory_space<vmem_shared>> -> memref<10240x64xbf16, #tpu.memory_space<vmem_shared>>
        tpu.wait_indirect_dma semaphore(%arg18 : memref<!tpu.dma_semaphore, #tpu.memory_space<semaphore_mem>>) src(%dma_wait3A_288 : memref<128x64xbf16, #tpu.memory_space<vmem>>) dst(%dma_wait3A_294 : memref<10240x64xbf16, #tpu.memory_space<vmem_shared>>)
      } else {
      }
      %lt3A_266 = arith.constant 80 : i32
      %lt3A_267 = arith.cmpi slt, %sub3A_260, %lt3A_266 : i32
      %convert_element_type3A_268 = arith.extui %lt3A_267 : i1 to i32
      %cond3A_269 = arith.constant 0 : i32
      %cond3A_270 = arith.cmpi ne, %convert_element_type3A_268, %cond3A_269 : i32
      scf.if %cond3A_270 {
        %dma_start3A_282 = arith.constant 3 : i32
        %dma_start3A_283 = arith.constant 0 : i32
        %dma_start3A_284 = arith.constant 0 : i32
        %dma_start3A_285 = tpu.memref_slice %arg7[%dma_start3A_282, %dma_start3A_283, %dma_start3A_284] : memref<5x128x64xbf16, #tpu.memory_space<vmem>> -> memref<1x128x64xbf16, #tpu.memory_space<vmem>>
        %dma_start3A_286 = tpu.memref_squeeze %dma_start3A_285 : memref<1x128x64xbf16, #tpu.memory_space<vmem>> -> memref<128x64xbf16, #tpu.memory_space<vmem>>
        %dma_start3A_287 = arith.constant 0 : i32
        %dma_start3A_288 = tpu.memref_slice %arg5[%sub3A_260, %dma_start3A_287] : memref<80x128xi32, #tpu.memory_space<vmem>> -> memref<1x128xi32, #tpu.memory_space<vmem>>
        %dma_start3A_289 = tpu.memref_squeeze %dma_start3A_288 : memref<1x128xi32, #tpu.memory_space<vmem>> -> memref<128xi32, #tpu.memory_space<vmem>>
        %dma_start3A_290 = arith.constant 0 : i32
        %dma_start3A_291 = arith.constant 0 : i32
        %dma_start3A_292 = tpu.memref_slice %arg2[%dma_start3A_290, %dma_start3A_291] : memref<10240x64xbf16, #tpu.memory_space<hbm>> -> memref<10240x64xbf16, #tpu.memory_space<hbm>>
        tpu.enqueue_indirect_dma source(%dma_start3A_292 : memref<10240x64xbf16, #tpu.memory_space<hbm>>) target(%dma_start3A_286 : memref<128x64xbf16, #tpu.memory_space<vmem>>) offsets(%dma_start3A_289 : memref<128xi32, #tpu.memory_space<vmem>>) semaphore(%arg13 : memref<!tpu.dma_semaphore, #tpu.memory_space<semaphore_mem>>)
      } else {
      }
      %dma_start3A_271 = arith.constant 4 : i32
      %dma_start3A_272 = arith.constant 0 : i32
      %dma_start3A_273 = arith.constant 0 : i32
      %dma_start3A_274 = tpu.memref_slice %arg7[%dma_start3A_271, %dma_start3A_272, %dma_start3A_273] : memref<5x128x64xbf16, #tpu.memory_space<vmem>> -> memref<1x128x64xbf16, #tpu.memory_space<vmem>>
      %dma_start3A_275 = tpu.memref_squeeze %dma_start3A_274 : memref<1x128x64xbf16, #tpu.memory_space<vmem>> -> memref<128x64xbf16, #tpu.memory_space<vmem>>
      %dma_start3A_276 = arith.constant 0 : i32
      %dma_start3A_277 = tpu.memref_slice %arg6[%add3A_245, %dma_start3A_276] : memref<80x128xi32, #tpu.memory_space<vmem>> -> memref<1x128xi32, #tpu.memory_space<vmem>>
      %dma_start3A_278 = tpu.memref_squeeze %dma_start3A_277 : memref<1x128xi32, #tpu.memory_space<vmem>> -> memref<128xi32, #tpu.memory_space<vmem>>
      %dma_start3A_279 = arith.constant 0 : i32
      %dma_start3A_280 = arith.constant 0 : i32
      %dma_start3A_281 = tpu.memref_slice %arg9[%dma_start3A_279, %dma_start3A_280] : memref<10240x64xbf16, #tpu.memory_space<vmem_shared>> -> memref<10240x64xbf16, #tpu.memory_space<vmem_shared>>
      tpu.enqueue_indirect_dma source(%dma_start3A_275 : memref<128x64xbf16, #tpu.memory_space<vmem>>) target(%dma_start3A_281 : memref<10240x64xbf16, #tpu.memory_space<vmem_shared>>) offsets(%dma_start3A_278 : memref<128xi32, #tpu.memory_space<vmem>>) semaphore(%arg19 : memref<!tpu.dma_semaphore, #tpu.memory_space<semaphore_mem>>) {add = true}
    }
    %scan3A_69 = arith.constant 16 : i32
    %dma_wait3A = arith.constant 4 : i32
    %dma_wait3A_70 = arith.constant 79 : i32
    %dma_wait3A_71 = arith.constant 0 : i32
    %dma_wait3A_72 = arith.constant 0 : i32
    %dma_wait3A_73 = tpu.memref_slice %arg7[%dma_wait3A, %dma_wait3A_71, %dma_wait3A_72] : memref<5x128x64xbf16, #tpu.memory_space<vmem>> -> memref<1x128x64xbf16, #tpu.memory_space<vmem>>
    %dma_wait3A_74 = tpu.memref_squeeze %dma_wait3A_73 : memref<1x128x64xbf16, #tpu.memory_space<vmem>> -> memref<128x64xbf16, #tpu.memory_space<vmem>>
    %dma_wait3A_75 = arith.constant 0 : i32
    %dma_wait3A_76 = tpu.memref_slice %arg6[%dma_wait3A_70, %dma_wait3A_75] : memref<80x128xi32, #tpu.memory_space<vmem>> -> memref<1x128xi32, #tpu.memory_space<vmem>>
    %dma_wait3A_77 = tpu.memref_squeeze %dma_wait3A_76 : memref<1x128xi32, #tpu.memory_space<vmem>> -> memref<128xi32, #tpu.memory_space<vmem>>
    %dma_wait3A_78 = arith.constant 0 : i32
    %dma_wait3A_79 = arith.constant 0 : i32
    %dma_wait3A_80 = tpu.memref_slice %arg9[%dma_wait3A_78, %dma_wait3A_79] : memref<10240x64xbf16, #tpu.memory_space<vmem_shared>> -> memref<10240x64xbf16, #tpu.memory_space<vmem_shared>>
    tpu.wait_indirect_dma semaphore(%arg19 : memref<!tpu.dma_semaphore, #tpu.memory_space<semaphore_mem>>) src(%dma_wait3A_74 : memref<128x64xbf16, #tpu.memory_space<vmem>>) dst(%dma_wait3A_80 : memref<10240x64xbf16, #tpu.memory_space<vmem_shared>>)
    %barrier3A_81 = arith.constant 0 : index
    tpu.barrier barrier_id(%barrier3A_81)
    %mul3A_82 = arith.constant 640 : i32
    %mul3A_83 = arith.muli %arg1, %mul3A_82 : i32
    %mul3A_84 = arith.constant 640 : i32
    %mul3A_85 = arith.muli %arg1, %mul3A_84 : i32
    "tpu.region"() ({
      %run_scoped3A_86 = tpu.sem_alloc : memref<!tpu.dma_semaphore, #tpu.memory_space<semaphore_mem>>
      %dma_start3A_87 = arith.constant 0 : i32
      %dma_start3A_88 = tpu.memref_slice %arg4[%arg0, %mul3A_85, %dma_start3A_87] : memref<2x10240x64xbf16, #tpu.memory_space<hbm>> -> memref<1x640x64xbf16, #tpu.memory_space<hbm>>
      %dma_start3A_89 = tpu.memref_squeeze %dma_start3A_88 : memref<1x640x64xbf16, #tpu.memory_space<hbm>> -> memref<640x64xbf16, #tpu.memory_space<hbm>>
      %dma_start3A_90 = arith.constant 0 : i32
      %dma_start3A_91 = tpu.memref_slice %arg9[%mul3A_83, %dma_start3A_90] : memref<10240x64xbf16, #tpu.memory_space<vmem_shared>> -> memref<640x64xbf16, #tpu.memory_space<vmem_shared>>
      tpu.enqueue_dma source(%dma_start3A_91 : memref<640x64xbf16, #tpu.memory_space<vmem_shared>>) target(%dma_start3A_89 : memref<640x64xbf16, #tpu.memory_space<hbm>>) target_semaphore(%run_scoped3A_86 : memref<!tpu.dma_semaphore, #tpu.memory_space<semaphore_mem>>)
      %dma_wait3A_92 = arith.constant 0 : i32
      %dma_wait3A_93 = tpu.memref_slice %arg4[%arg0, %mul3A_85, %dma_wait3A_92] : memref<2x10240x64xbf16, #tpu.memory_space<hbm>> -> memref<1x640x64xbf16, #tpu.memory_space<hbm>>
      %dma_wait3A_94 = tpu.memref_squeeze %dma_wait3A_93 : memref<1x640x64xbf16, #tpu.memory_space<hbm>> -> memref<640x64xbf16, #tpu.memory_space<hbm>>
      %dma_wait3A_95 = arith.constant 0 : i32
      %dma_wait3A_96 = tpu.memref_slice %arg9[%mul3A_83, %dma_wait3A_95] : memref<10240x64xbf16, #tpu.memory_space<vmem_shared>> -> memref<640x64xbf16, #tpu.memory_space<vmem_shared>>
      tpu.wait_dma2 semaphore(%run_scoped3A_86 : memref<!tpu.dma_semaphore, #tpu.memory_space<semaphore_mem>>) src(%dma_wait3A_96 : memref<640x64xbf16, #tpu.memory_space<vmem_shared>>) dst(%dma_wait3A_94 : memref<640x64xbf16, #tpu.memory_space<hbm>>)
      tpu.yield
    }) : () -> ()
    return
  }
}

#map = affine_map<(d0, d1) -> (0, 0)>
#map1 = affine_map<(d0, d1) -> (0, 0, 0)>
module attributes {stable_mosaic.version = 14 : i64} {
  func.func @agg(%arg0: i32, %arg1: i32, %arg2: memref<10240x16xf32, #tpu.memory_space<hbm>>, %arg3: memref<2x2560x128xi32, #tpu.memory_space<hbm>>, %arg4: memref<2x10240x16xf32, #tpu.memory_space<hbm>>, %arg5: memref<80x128xi32, #tpu.memory_space<vmem>>, %arg6: memref<80x128xi32, #tpu.memory_space<vmem>>, %arg7: memref<5x128x16xf32, #tpu.memory_space<vmem>>, %arg8: memref<128x16xf32, #tpu.memory_space<vmem>>, %arg9: memref<10240x16xf32, #tpu.memory_space<vmem_shared>>, %arg10: memref<10240x16xf32, #tpu.memory_space<vmem_shared>>, %arg11: memref<!tpu.dma_semaphore, #tpu.memory_space<semaphore_mem>>, %arg12: memref<!tpu.dma_semaphore, #tpu.memory_space<semaphore_mem>>, %arg13: memref<!tpu.dma_semaphore, #tpu.memory_space<semaphore_mem>>, %arg14: memref<!tpu.dma_semaphore, #tpu.memory_space<semaphore_mem>>, %arg15: memref<!tpu.dma_semaphore, #tpu.memory_space<semaphore_mem>>, %arg16: memref<!tpu.dma_semaphore, #tpu.memory_space<semaphore_mem>>, %arg17: memref<!tpu.dma_semaphore, #tpu.memory_space<semaphore_mem>>, %arg18: memref<!tpu.dma_semaphore, #tpu.memory_space<semaphore_mem>>, %arg19: memref<!tpu.dma_semaphore, #tpu.memory_space<semaphore_mem>>, %arg20: memref<!tpu.dma_semaphore, #tpu.memory_space<semaphore_mem>>) attributes {dimension_semantics = [#tpu.dimension_semantics<core_parallel>, #tpu.dimension_semantics<subcore_parallel>], iteration_bounds = array<i64: 2, 16>, scalar_prefetch = 0 : i64, scratch_operands = 16 : i64, tpu.core_type = #tpu.core_type<sc_vector_subcore>, window_params = [{transform_indices = #map}, {transform_indices = #map1}, {transform_indices = #map1}]} {
    %mul3A = arith.constant 16 : i32
    %mul3A_0 = arith.muli %arg0, %mul3A : i32
    %add3A = arith.addi %mul3A_0, %arg1 : i32
    %scan3A = arith.constant 0 : i32
    %scan3A_1 = arith.constant 0 : i32
    %scan3A_2 = arith.constant 128 : i32
    %scan3A_3 = arith.addi %scan3A_1, %scan3A_2 : i32
    %scan3A_4 = arith.constant 1 : i32
    scf.for %scan3A_90 = %scan3A_1 to %scan3A_3 step %scan3A_4  : i32 {
      %broadcast_in_dim3A = arith.constant 0.000000e+00 : f32
      %broadcast_in_dim3A_91 = vector.broadcast %broadcast_in_dim3A : f32 to vector<16xf32>
      %swap3A = arith.index_cast %scan3A_90 : i32 to index
      %swap3A_92 = arith.constant 0 : index
      %swap3A_93 = tpu.vector_load %arg8[%swap3A, %swap3A_92] {strides = array<i32>} : memref<128x16xf32, #tpu.memory_space<vmem>>, vector<1x16xf32>,
      %swap3A_94 = vector.shape_cast %swap3A_93 : vector<1x16xf32> to vector<16xf32>
      %swap3A_95 = vector.shape_cast %broadcast_in_dim3A_91 : vector<16xf32> to vector<1x16xf32>
      tpu.vector_store %arg8[%swap3A, %swap3A_92], %swap3A_95 {strides = array<i32>} : memref<128x16xf32, #tpu.memory_space<vmem>>, vector<1x16xf32>,
    }
    %scan3A_5 = arith.constant 128 : i32
    %scan3A_6 = arith.constant 0 : i32
    %scan3A_7 = arith.constant 0 : i32
    %scan3A_8 = arith.constant 5 : i32
    %scan3A_9 = arith.addi %scan3A_7, %scan3A_8 : i32
    %scan3A_10 = arith.constant 1 : i32
    scf.for %scan3A_90 = %scan3A_7 to %scan3A_9 step %scan3A_10  : i32 {
      %mul3A_91 = arith.constant 640 : i32
      %mul3A_92 = arith.muli %arg1, %mul3A_91 : i32
      %mul3A_93 = arith.constant 128 : i32
      %mul3A_94 = arith.muli %scan3A_90, %mul3A_93 : i32
      %add3A_95 = arith.addi %mul3A_92, %mul3A_94 : i32
      "tpu.region"() ({
        %run_scoped3A_96 = tpu.sem_alloc : memref<!tpu.dma_semaphore, #tpu.memory_space<semaphore_mem>>
        %dma_start3A_97 = arith.constant 0 : i32
        %dma_start3A_98 = tpu.memref_slice %arg9[%add3A_95, %dma_start3A_97] : memref<10240x16xf32, #tpu.memory_space<vmem_shared>> -> memref<128x16xf32, #tpu.memory_space<vmem_shared>>
        %dma_start3A_99 = arith.constant 0 : i32
        %dma_start3A_100 = tpu.memref_slice %arg9[%add3A_95, %dma_start3A_99] : memref<10240x16xf32, #tpu.memory_space<vmem_shared>> -> memref<128x16xf32, #tpu.memory_space<vmem_shared>>
        tpu.enqueue_dma source(%arg8 : memref<128x16xf32, #tpu.memory_space<vmem>>) target(%dma_start3A_100 : memref<128x16xf32, #tpu.memory_space<vmem_shared>>) target_semaphore(%run_scoped3A_96 : memref<!tpu.dma_semaphore, #tpu.memory_space<semaphore_mem>>)
        %dma_wait3A_101 = arith.constant 0 : i32
        %dma_wait3A_102 = tpu.memref_slice %arg9[%add3A_95, %dma_wait3A_101] : memref<10240x16xf32, #tpu.memory_space<vmem_shared>> -> memref<128x16xf32, #tpu.memory_space<vmem_shared>>
        %dma_wait3A_103 = arith.constant 0 : i32
        %dma_wait3A_104 = tpu.memref_slice %arg9[%add3A_95, %dma_wait3A_103] : memref<10240x16xf32, #tpu.memory_space<vmem_shared>> -> memref<128x16xf32, #tpu.memory_space<vmem_shared>>
        tpu.wait_dma2 semaphore(%run_scoped3A_96 : memref<!tpu.dma_semaphore, #tpu.memory_space<semaphore_mem>>) src(%arg8 : memref<128x16xf32, #tpu.memory_space<vmem>>) dst(%dma_wait3A_104 : memref<128x16xf32, #tpu.memory_space<vmem_shared>>)
        tpu.yield
      }) : () -> ()
    }
    %scan3A_11 = arith.constant 5 : i32
    %mul3A_12 = arith.constant 80 : i32
    %mul3A_13 = arith.muli %add3A, %mul3A_12 : i32
    %run_scoped3A = arith.constant 0 : i32
    "tpu.region"() ({
      %run_scoped3A_90 = tpu.sem_alloc : memref<!tpu.dma_semaphore, #tpu.memory_space<semaphore_mem>>
      %dma_start3A_91 = arith.constant 0 : i32
      %dma_start3A_92 = tpu.memref_slice %arg3[%run_scoped3A, %mul3A_13, %dma_start3A_91] : memref<2x2560x128xi32, #tpu.memory_space<hbm>> -> memref<1x80x128xi32, #tpu.memory_space<hbm>>
      %dma_start3A_93 = tpu.memref_squeeze %dma_start3A_92 : memref<1x80x128xi32, #tpu.memory_space<hbm>> -> memref<80x128xi32, #tpu.memory_space<hbm>>
      %dma_start3A_94 = arith.constant 0 : i32
      %dma_start3A_95 = tpu.memref_slice %arg3[%run_scoped3A, %mul3A_13, %dma_start3A_94] : memref<2x2560x128xi32, #tpu.memory_space<hbm>> -> memref<1x80x128xi32, #tpu.memory_space<hbm>>
      %dma_start3A_96 = tpu.memref_squeeze %dma_start3A_95 : memref<1x80x128xi32, #tpu.memory_space<hbm>> -> memref<80x128xi32, #tpu.memory_space<hbm>>
      tpu.enqueue_dma source(%dma_start3A_96 : memref<80x128xi32, #tpu.memory_space<hbm>>) target(%arg5 : memref<80x128xi32, #tpu.memory_space<vmem>>) target_semaphore(%run_scoped3A_90 : memref<!tpu.dma_semaphore, #tpu.memory_space<semaphore_mem>>)
      %dma_wait3A_97 = arith.constant 0 : i32
      %dma_wait3A_98 = tpu.memref_slice %arg3[%run_scoped3A, %mul3A_13, %dma_wait3A_97] : memref<2x2560x128xi32, #tpu.memory_space<hbm>> -> memref<1x80x128xi32, #tpu.memory_space<hbm>>
      %dma_wait3A_99 = tpu.memref_squeeze %dma_wait3A_98 : memref<1x80x128xi32, #tpu.memory_space<hbm>> -> memref<80x128xi32, #tpu.memory_space<hbm>>
      %dma_wait3A_100 = arith.constant 0 : i32
      %dma_wait3A_101 = tpu.memref_slice %arg3[%run_scoped3A, %mul3A_13, %dma_wait3A_100] : memref<2x2560x128xi32, #tpu.memory_space<hbm>> -> memref<1x80x128xi32, #tpu.memory_space<hbm>>
      %dma_wait3A_102 = tpu.memref_squeeze %dma_wait3A_101 : memref<1x80x128xi32, #tpu.memory_space<hbm>> -> memref<80x128xi32, #tpu.memory_space<hbm>>
      tpu.wait_dma2 semaphore(%run_scoped3A_90 : memref<!tpu.dma_semaphore, #tpu.memory_space<semaphore_mem>>) src(%dma_wait3A_102 : memref<80x128xi32, #tpu.memory_space<hbm>>) dst(%arg5 : memref<80x128xi32, #tpu.memory_space<vmem>>)
      tpu.yield
    }) : () -> ()
    %mul3A_14 = arith.constant 80 : i32
    %mul3A_15 = arith.muli %add3A, %mul3A_14 : i32
    %run_scoped3A_16 = arith.constant 1 : i32
    "tpu.region"() ({
      %run_scoped3A_90 = tpu.sem_alloc : memref<!tpu.dma_semaphore, #tpu.memory_space<semaphore_mem>>
      %dma_start3A_91 = arith.constant 0 : i32
      %dma_start3A_92 = tpu.memref_slice %arg3[%run_scoped3A_16, %mul3A_15, %dma_start3A_91] : memref<2x2560x128xi32, #tpu.memory_space<hbm>> -> memref<1x80x128xi32, #tpu.memory_space<hbm>>
      %dma_start3A_93 = tpu.memref_squeeze %dma_start3A_92 : memref<1x80x128xi32, #tpu.memory_space<hbm>> -> memref<80x128xi32, #tpu.memory_space<hbm>>
      %dma_start3A_94 = arith.constant 0 : i32
      %dma_start3A_95 = tpu.memref_slice %arg3[%run_scoped3A_16, %mul3A_15, %dma_start3A_94] : memref<2x2560x128xi32, #tpu.memory_space<hbm>> -> memref<1x80x128xi32, #tpu.memory_space<hbm>>
      %dma_start3A_96 = tpu.memref_squeeze %dma_start3A_95 : memref<1x80x128xi32, #tpu.memory_space<hbm>> -> memref<80x128xi32, #tpu.memory_space<hbm>>
      tpu.enqueue_dma source(%dma_start3A_96 : memref<80x128xi32, #tpu.memory_space<hbm>>) target(%arg6 : memref<80x128xi32, #tpu.memory_space<vmem>>) target_semaphore(%run_scoped3A_90 : memref<!tpu.dma_semaphore, #tpu.memory_space<semaphore_mem>>)
      %dma_wait3A_97 = arith.constant 0 : i32
      %dma_wait3A_98 = tpu.memref_slice %arg3[%run_scoped3A_16, %mul3A_15, %dma_wait3A_97] : memref<2x2560x128xi32, #tpu.memory_space<hbm>> -> memref<1x80x128xi32, #tpu.memory_space<hbm>>
      %dma_wait3A_99 = tpu.memref_squeeze %dma_wait3A_98 : memref<1x80x128xi32, #tpu.memory_space<hbm>> -> memref<80x128xi32, #tpu.memory_space<hbm>>
      %dma_wait3A_100 = arith.constant 0 : i32
      %dma_wait3A_101 = tpu.memref_slice %arg3[%run_scoped3A_16, %mul3A_15, %dma_wait3A_100] : memref<2x2560x128xi32, #tpu.memory_space<hbm>> -> memref<1x80x128xi32, #tpu.memory_space<hbm>>
      %dma_wait3A_102 = tpu.memref_squeeze %dma_wait3A_101 : memref<1x80x128xi32, #tpu.memory_space<hbm>> -> memref<80x128xi32, #tpu.memory_space<hbm>>
      tpu.wait_dma2 semaphore(%run_scoped3A_90 : memref<!tpu.dma_semaphore, #tpu.memory_space<semaphore_mem>>) src(%dma_wait3A_102 : memref<80x128xi32, #tpu.memory_space<hbm>>) dst(%arg6 : memref<80x128xi32, #tpu.memory_space<vmem>>)
      tpu.yield
    }) : () -> ()
    %mul3A_17 = arith.constant 640 : i32
    %mul3A_18 = arith.muli %arg1, %mul3A_17 : i32
    %mul3A_19 = arith.constant 640 : i32
    %mul3A_20 = arith.muli %arg1, %mul3A_19 : i32
    "tpu.region"() ({
      %run_scoped3A_90 = tpu.sem_alloc : memref<!tpu.dma_semaphore, #tpu.memory_space<semaphore_mem>>
      %dma_start3A_91 = arith.constant 0 : i32
      %dma_start3A_92 = tpu.memref_slice %arg10[%mul3A_20, %dma_start3A_91] : memref<10240x16xf32, #tpu.memory_space<vmem_shared>> -> memref<640x16xf32, #tpu.memory_space<vmem_shared>>
      %dma_start3A_93 = arith.constant 0 : i32
      %dma_start3A_94 = tpu.memref_slice %arg2[%mul3A_18, %dma_start3A_93] : memref<10240x16xf32, #tpu.memory_space<hbm>> -> memref<640x16xf32, #tpu.memory_space<hbm>>
      tpu.enqueue_dma source(%dma_start3A_94 : memref<640x16xf32, #tpu.memory_space<hbm>>) target(%dma_start3A_92 : memref<640x16xf32, #tpu.memory_space<vmem_shared>>) target_semaphore(%run_scoped3A_90 : memref<!tpu.dma_semaphore, #tpu.memory_space<semaphore_mem>>)
      %dma_wait3A_95 = arith.constant 0 : i32
      %dma_wait3A_96 = tpu.memref_slice %arg10[%mul3A_20, %dma_wait3A_95] : memref<10240x16xf32, #tpu.memory_space<vmem_shared>> -> memref<640x16xf32, #tpu.memory_space<vmem_shared>>
      %dma_wait3A_97 = arith.constant 0 : i32
      %dma_wait3A_98 = tpu.memref_slice %arg2[%mul3A_18, %dma_wait3A_97] : memref<10240x16xf32, #tpu.memory_space<hbm>> -> memref<640x16xf32, #tpu.memory_space<hbm>>
      tpu.wait_dma2 semaphore(%run_scoped3A_90 : memref<!tpu.dma_semaphore, #tpu.memory_space<semaphore_mem>>) src(%dma_wait3A_98 : memref<640x16xf32, #tpu.memory_space<hbm>>) dst(%dma_wait3A_96 : memref<640x16xf32, #tpu.memory_space<vmem_shared>>)
      tpu.yield
    }) : () -> ()
    %barrier3A = arith.constant 0 : index
    tpu.barrier barrier_id(%barrier3A)
    %dma_start3A = arith.constant 0 : i32
    %dma_start3A_21 = arith.constant 0 : i32
    %dma_start3A_22 = arith.constant 0 : i32
    %dma_start3A_23 = arith.constant 0 : i32
    %dma_start3A_24 = tpu.memref_slice %arg7[%dma_start3A_21, %dma_start3A_22, %dma_start3A_23] : memref<5x128x16xf32, #tpu.memory_space<vmem>> -> memref<1x128x16xf32, #tpu.memory_space<vmem>>
    %dma_start3A_25 = tpu.memref_squeeze %dma_start3A_24 : memref<1x128x16xf32, #tpu.memory_space<vmem>> -> memref<128x16xf32, #tpu.memory_space<vmem>>
    %dma_start3A_26 = arith.constant 0 : i32
    %dma_start3A_27 = tpu.memref_slice %arg5[%dma_start3A, %dma_start3A_26] : memref<80x128xi32, #tpu.memory_space<vmem>> -> memref<1x128xi32, #tpu.memory_space<vmem>>
    %dma_start3A_28 = tpu.memref_squeeze %dma_start3A_27 : memref<1x128xi32, #tpu.memory_space<vmem>> -> memref<128xi32, #tpu.memory_space<vmem>>
    %dma_start3A_29 = arith.constant 0 : i32
    %dma_start3A_30 = arith.constant 0 : i32
    %dma_start3A_31 = tpu.memref_slice %arg10[%dma_start3A_29, %dma_start3A_30] : memref<10240x16xf32, #tpu.memory_space<vmem_shared>> -> memref<10240x16xf32, #tpu.memory_space<vmem_shared>>
    tpu.enqueue_indirect_dma source(%dma_start3A_31 : memref<10240x16xf32, #tpu.memory_space<vmem_shared>>) target(%dma_start3A_25 : memref<128x16xf32, #tpu.memory_space<vmem>>) offsets(%dma_start3A_28 : memref<128xi32, #tpu.memory_space<vmem>>) semaphore(%arg11 : memref<!tpu.dma_semaphore, #tpu.memory_space<semaphore_mem>>)
    %dma_start3A_32 = arith.constant 1 : i32
    %dma_start3A_33 = arith.constant 1 : i32
    %dma_start3A_34 = arith.constant 0 : i32
    %dma_start3A_35 = arith.constant 0 : i32
    %dma_start3A_36 = tpu.memref_slice %arg7[%dma_start3A_33, %dma_start3A_34, %dma_start3A_35] : memref<5x128x16xf32, #tpu.memory_space<vmem>> -> memref<1x128x16xf32, #tpu.memory_space<vmem>>
    %dma_start3A_37 = tpu.memref_squeeze %dma_start3A_36 : memref<1x128x16xf32, #tpu.memory_space<vmem>> -> memref<128x16xf32, #tpu.memory_space<vmem>>
    %dma_start3A_38 = arith.constant 0 : i32
    %dma_start3A_39 = tpu.memref_slice %arg5[%dma_start3A_32, %dma_start3A_38] : memref<80x128xi32, #tpu.memory_space<vmem>> -> memref<1x128xi32, #tpu.memory_space<vmem>>
    %dma_start3A_40 = tpu.memref_squeeze %dma_start3A_39 : memref<1x128xi32, #tpu.memory_space<vmem>> -> memref<128xi32, #tpu.memory_space<vmem>>
    %dma_start3A_41 = arith.constant 0 : i32
    %dma_start3A_42 = arith.constant 0 : i32
    %dma_start3A_43 = tpu.memref_slice %arg10[%dma_start3A_41, %dma_start3A_42] : memref<10240x16xf32, #tpu.memory_space<vmem_shared>> -> memref<10240x16xf32, #tpu.memory_space<vmem_shared>>
    tpu.enqueue_indirect_dma source(%dma_start3A_43 : memref<10240x16xf32, #tpu.memory_space<vmem_shared>>) target(%dma_start3A_37 : memref<128x16xf32, #tpu.memory_space<vmem>>) offsets(%dma_start3A_40 : memref<128xi32, #tpu.memory_space<vmem>>) semaphore(%arg12 : memref<!tpu.dma_semaphore, #tpu.memory_space<semaphore_mem>>)
    %dma_start3A_44 = arith.constant 2 : i32
    %dma_start3A_45 = arith.constant 2 : i32
    %dma_start3A_46 = arith.constant 0 : i32
    %dma_start3A_47 = arith.constant 0 : i32
    %dma_start3A_48 = tpu.memref_slice %arg7[%dma_start3A_45, %dma_start3A_46, %dma_start3A_47] : memref<5x128x16xf32, #tpu.memory_space<vmem>> -> memref<1x128x16xf32, #tpu.memory_space<vmem>>
    %dma_start3A_49 = tpu.memref_squeeze %dma_start3A_48 : memref<1x128x16xf32, #tpu.memory_space<vmem>> -> memref<128x16xf32, #tpu.memory_space<vmem>>
    %dma_start3A_50 = arith.constant 0 : i32
    %dma_start3A_51 = tpu.memref_slice %arg5[%dma_start3A_44, %dma_start3A_50] : memref<80x128xi32, #tpu.memory_space<vmem>> -> memref<1x128xi32, #tpu.memory_space<vmem>>
    %dma_start3A_52 = tpu.memref_squeeze %dma_start3A_51 : memref<1x128xi32, #tpu.memory_space<vmem>> -> memref<128xi32, #tpu.memory_space<vmem>>
    %dma_start3A_53 = arith.constant 0 : i32
    %dma_start3A_54 = arith.constant 0 : i32
    %dma_start3A_55 = tpu.memref_slice %arg10[%dma_start3A_53, %dma_start3A_54] : memref<10240x16xf32, #tpu.memory_space<vmem_shared>> -> memref<10240x16xf32, #tpu.memory_space<vmem_shared>>
    tpu.enqueue_indirect_dma source(%dma_start3A_55 : memref<10240x16xf32, #tpu.memory_space<vmem_shared>>) target(%dma_start3A_49 : memref<128x16xf32, #tpu.memory_space<vmem>>) offsets(%dma_start3A_52 : memref<128xi32, #tpu.memory_space<vmem>>) semaphore(%arg13 : memref<!tpu.dma_semaphore, #tpu.memory_space<semaphore_mem>>)
    %dma_start3A_56 = arith.constant 3 : i32
    %dma_start3A_57 = arith.constant 3 : i32
    %dma_start3A_58 = arith.constant 0 : i32
    %dma_start3A_59 = arith.constant 0 : i32
    %dma_start3A_60 = tpu.memref_slice %arg7[%dma_start3A_57, %dma_start3A_58, %dma_start3A_59] : memref<5x128x16xf32, #tpu.memory_space<vmem>> -> memref<1x128x16xf32, #tpu.memory_space<vmem>>
    %dma_start3A_61 = tpu.memref_squeeze %dma_start3A_60 : memref<1x128x16xf32, #tpu.memory_space<vmem>> -> memref<128x16xf32, #tpu.memory_space<vmem>>
    %dma_start3A_62 = arith.constant 0 : i32
    %dma_start3A_63 = tpu.memref_slice %arg5[%dma_start3A_56, %dma_start3A_62] : memref<80x128xi32, #tpu.memory_space<vmem>> -> memref<1x128xi32, #tpu.memory_space<vmem>>
    %dma_start3A_64 = tpu.memref_squeeze %dma_start3A_63 : memref<1x128xi32, #tpu.memory_space<vmem>> -> memref<128xi32, #tpu.memory_space<vmem>>
    %dma_start3A_65 = arith.constant 0 : i32
    %dma_start3A_66 = arith.constant 0 : i32
    %dma_start3A_67 = tpu.memref_slice %arg10[%dma_start3A_65, %dma_start3A_66] : memref<10240x16xf32, #tpu.memory_space<vmem_shared>> -> memref<10240x16xf32, #tpu.memory_space<vmem_shared>>
    tpu.enqueue_indirect_dma source(%dma_start3A_67 : memref<10240x16xf32, #tpu.memory_space<vmem_shared>>) target(%dma_start3A_61 : memref<128x16xf32, #tpu.memory_space<vmem>>) offsets(%dma_start3A_64 : memref<128xi32, #tpu.memory_space<vmem>>) semaphore(%arg14 : memref<!tpu.dma_semaphore, #tpu.memory_space<semaphore_mem>>)
    %scan3A_68 = arith.constant 0 : i32
    %scan3A_69 = arith.constant 0 : i32
    %scan3A_70 = arith.constant 16 : i32
    %scan3A_71 = arith.addi %scan3A_69, %scan3A_70 : i32
    %scan3A_72 = arith.constant 1 : i32
    scf.for %scan3A_90 = %scan3A_69 to %scan3A_71 step %scan3A_72  : i32 {
      %mul3A_91 = arith.constant 5 : i32
      %mul3A_92 = arith.muli %scan3A_90, %mul3A_91 : i32
      %add3A_93 = arith.constant 0 : i32
      %add3A_94 = arith.addi %mul3A_92, %add3A_93 : i32
      %dma_wait3A_95 = arith.constant 0 : i32
      %dma_wait3A_96 = arith.constant 0 : i32
      %dma_wait3A_97 = arith.constant 0 : i32
      %dma_wait3A_98 = tpu.memref_slice %arg7[%dma_wait3A_95, %dma_wait3A_96, %dma_wait3A_97] : memref<5x128x16xf32, #tpu.memory_space<vmem>> -> memref<1x128x16xf32, #tpu.memory_space<vmem>>
      %dma_wait3A_99 = tpu.memref_squeeze %dma_wait3A_98 : memref<1x128x16xf32, #tpu.memory_space<vmem>> -> memref<128x16xf32, #tpu.memory_space<vmem>>
      %dma_wait3A_100 = arith.constant 0 : i32
      %dma_wait3A_101 = tpu.memref_slice %arg5[%add3A_94, %dma_wait3A_100] : memref<80x128xi32, #tpu.memory_space<vmem>> -> memref<1x128xi32, #tpu.memory_space<vmem>>
      %dma_wait3A_102 = tpu.memref_squeeze %dma_wait3A_101 : memref<1x128xi32, #tpu.memory_space<vmem>> -> memref<128xi32, #tpu.memory_space<vmem>>
      %dma_wait3A_103 = arith.constant 0 : i32
      %dma_wait3A_104 = arith.constant 0 : i32
      %dma_wait3A_105 = tpu.memref_slice %arg10[%dma_wait3A_103, %dma_wait3A_104] : memref<10240x16xf32, #tpu.memory_space<vmem_shared>> -> memref<10240x16xf32, #tpu.memory_space<vmem_shared>>
      tpu.wait_indirect_dma semaphore(%arg11 : memref<!tpu.dma_semaphore, #tpu.memory_space<semaphore_mem>>) src(%dma_wait3A_105 : memref<10240x16xf32, #tpu.memory_space<vmem_shared>>) dst(%dma_wait3A_99 : memref<128x16xf32, #tpu.memory_space<vmem>>)
      %add3A_106 = arith.constant 5 : i32
      %add3A_107 = arith.addi %add3A_94, %add3A_106 : i32
      %sub3A = arith.constant 1 : i32
      %sub3A_108 = arith.subi %add3A_107, %sub3A : i32
      %ge3A = arith.constant 1 : i32
      %ge3A_109 = arith.cmpi sge, %add3A_94, %ge3A : i32
      %convert_element_type3A = arith.extui %ge3A_109 : i1 to i32
      %cond3A = arith.constant 0 : i32
      %cond3A_110 = arith.cmpi ne, %convert_element_type3A, %cond3A : i32
      scf.if %cond3A_110 {
        %sub3A_286 = arith.constant 1 : i32
        %sub3A_287 = arith.subi %add3A_94, %sub3A_286 : i32
        %dma_wait3A_288 = arith.constant 4 : i32
        %dma_wait3A_289 = arith.constant 0 : i32
        %dma_wait3A_290 = arith.constant 0 : i32
        %dma_wait3A_291 = tpu.memref_slice %arg7[%dma_wait3A_288, %dma_wait3A_289, %dma_wait3A_290] : memref<5x128x16xf32, #tpu.memory_space<vmem>> -> memref<1x128x16xf32, #tpu.memory_space<vmem>>
        %dma_wait3A_292 = tpu.memref_squeeze %dma_wait3A_291 : memref<1x128x16xf32, #tpu.memory_space<vmem>> -> memref<128x16xf32, #tpu.memory_space<vmem>>
        %dma_wait3A_293 = arith.constant 0 : i32
        %dma_wait3A_294 = tpu.memref_slice %arg6[%sub3A_287, %dma_wait3A_293] : memref<80x128xi32, #tpu.memory_space<vmem>> -> memref<1x128xi32, #tpu.memory_space<vmem>>
        %dma_wait3A_295 = tpu.memref_squeeze %dma_wait3A_294 : memref<1x128xi32, #tpu.memory_space<vmem>> -> memref<128xi32, #tpu.memory_space<vmem>>
        %dma_wait3A_296 = arith.constant 0 : i32
        %dma_wait3A_297 = arith.constant 0 : i32
        %dma_wait3A_298 = tpu.memref_slice %arg9[%dma_wait3A_296, %dma_wait3A_297] : memref<10240x16xf32, #tpu.memory_space<vmem_shared>> -> memref<10240x16xf32, #tpu.memory_space<vmem_shared>>
        tpu.wait_indirect_dma semaphore(%arg20 : memref<!tpu.dma_semaphore, #tpu.memory_space<semaphore_mem>>) src(%dma_wait3A_292 : memref<128x16xf32, #tpu.memory_space<vmem>>) dst(%dma_wait3A_298 : memref<10240x16xf32, #tpu.memory_space<vmem_shared>>)
      } else {
      }
      %lt3A = arith.constant 80 : i32
      %lt3A_111 = arith.cmpi slt, %sub3A_108, %lt3A : i32
      %convert_element_type3A_112 = arith.extui %lt3A_111 : i1 to i32
      %cond3A_113 = arith.constant 0 : i32
      %cond3A_114 = arith.cmpi ne, %convert_element_type3A_112, %cond3A_113 : i32
      scf.if %cond3A_114 {
        %dma_start3A_286 = arith.constant 4 : i32
        %dma_start3A_287 = arith.constant 0 : i32
        %dma_start3A_288 = arith.constant 0 : i32
        %dma_start3A_289 = tpu.memref_slice %arg7[%dma_start3A_286, %dma_start3A_287, %dma_start3A_288] : memref<5x128x16xf32, #tpu.memory_space<vmem>> -> memref<1x128x16xf32, #tpu.memory_space<vmem>>
        %dma_start3A_290 = tpu.memref_squeeze %dma_start3A_289 : memref<1x128x16xf32, #tpu.memory_space<vmem>> -> memref<128x16xf32, #tpu.memory_space<vmem>>
        %dma_start3A_291 = arith.constant 0 : i32
        %dma_start3A_292 = tpu.memref_slice %arg5[%sub3A_108, %dma_start3A_291] : memref<80x128xi32, #tpu.memory_space<vmem>> -> memref<1x128xi32, #tpu.memory_space<vmem>>
        %dma_start3A_293 = tpu.memref_squeeze %dma_start3A_292 : memref<1x128xi32, #tpu.memory_space<vmem>> -> memref<128xi32, #tpu.memory_space<vmem>>
        %dma_start3A_294 = arith.constant 0 : i32
        %dma_start3A_295 = arith.constant 0 : i32
        %dma_start3A_296 = tpu.memref_slice %arg10[%dma_start3A_294, %dma_start3A_295] : memref<10240x16xf32, #tpu.memory_space<vmem_shared>> -> memref<10240x16xf32, #tpu.memory_space<vmem_shared>>
        tpu.enqueue_indirect_dma source(%dma_start3A_296 : memref<10240x16xf32, #tpu.memory_space<vmem_shared>>) target(%dma_start3A_290 : memref<128x16xf32, #tpu.memory_space<vmem>>) offsets(%dma_start3A_293 : memref<128xi32, #tpu.memory_space<vmem>>) semaphore(%arg15 : memref<!tpu.dma_semaphore, #tpu.memory_space<semaphore_mem>>)
      } else {
      }
      %dma_start3A_115 = arith.constant 0 : i32
      %dma_start3A_116 = arith.constant 0 : i32
      %dma_start3A_117 = arith.constant 0 : i32
      %dma_start3A_118 = tpu.memref_slice %arg7[%dma_start3A_115, %dma_start3A_116, %dma_start3A_117] : memref<5x128x16xf32, #tpu.memory_space<vmem>> -> memref<1x128x16xf32, #tpu.memory_space<vmem>>
      %dma_start3A_119 = tpu.memref_squeeze %dma_start3A_118 : memref<1x128x16xf32, #tpu.memory_space<vmem>> -> memref<128x16xf32, #tpu.memory_space<vmem>>
      %dma_start3A_120 = arith.constant 0 : i32
      %dma_start3A_121 = tpu.memref_slice %arg6[%add3A_94, %dma_start3A_120] : memref<80x128xi32, #tpu.memory_space<vmem>> -> memref<1x128xi32, #tpu.memory_space<vmem>>
      %dma_start3A_122 = tpu.memref_squeeze %dma_start3A_121 : memref<1x128xi32, #tpu.memory_space<vmem>> -> memref<128xi32, #tpu.memory_space<vmem>>
      %dma_start3A_123 = arith.constant 0 : i32
      %dma_start3A_124 = arith.constant 0 : i32
      %dma_start3A_125 = tpu.memref_slice %arg9[%dma_start3A_123, %dma_start3A_124] : memref<10240x16xf32, #tpu.memory_space<vmem_shared>> -> memref<10240x16xf32, #tpu.memory_space<vmem_shared>>
      tpu.enqueue_indirect_dma source(%dma_start3A_119 : memref<128x16xf32, #tpu.memory_space<vmem>>) target(%dma_start3A_125 : memref<10240x16xf32, #tpu.memory_space<vmem_shared>>) offsets(%dma_start3A_122 : memref<128xi32, #tpu.memory_space<vmem>>) semaphore(%arg16 : memref<!tpu.dma_semaphore, #tpu.memory_space<semaphore_mem>>) {add = true}
      %mul3A_126 = arith.constant 5 : i32
      %mul3A_127 = arith.muli %scan3A_90, %mul3A_126 : i32
      %add3A_128 = arith.constant 1 : i32
      %add3A_129 = arith.addi %mul3A_127, %add3A_128 : i32
      %dma_wait3A_130 = arith.constant 1 : i32
      %dma_wait3A_131 = arith.constant 0 : i32
      %dma_wait3A_132 = arith.constant 0 : i32
      %dma_wait3A_133 = tpu.memref_slice %arg7[%dma_wait3A_130, %dma_wait3A_131, %dma_wait3A_132] : memref<5x128x16xf32, #tpu.memory_space<vmem>> -> memref<1x128x16xf32, #tpu.memory_space<vmem>>
      %dma_wait3A_134 = tpu.memref_squeeze %dma_wait3A_133 : memref<1x128x16xf32, #tpu.memory_space<vmem>> -> memref<128x16xf32, #tpu.memory_space<vmem>>
      %dma_wait3A_135 = arith.constant 0 : i32
      %dma_wait3A_136 = tpu.memref_slice %arg5[%add3A_129, %dma_wait3A_135] : memref<80x128xi32, #tpu.memory_space<vmem>> -> memref<1x128xi32, #tpu.memory_space<vmem>>
      %dma_wait3A_137 = tpu.memref_squeeze %dma_wait3A_136 : memref<1x128xi32, #tpu.memory_space<vmem>> -> memref<128xi32, #tpu.memory_space<vmem>>
      %dma_wait3A_138 = arith.constant 0 : i32
      %dma_wait3A_139 = arith.constant 0 : i32
      %dma_wait3A_140 = tpu.memref_slice %arg10[%dma_wait3A_138, %dma_wait3A_139] : memref<10240x16xf32, #tpu.memory_space<vmem_shared>> -> memref<10240x16xf32, #tpu.memory_space<vmem_shared>>
      tpu.wait_indirect_dma semaphore(%arg12 : memref<!tpu.dma_semaphore, #tpu.memory_space<semaphore_mem>>) src(%dma_wait3A_140 : memref<10240x16xf32, #tpu.memory_space<vmem_shared>>) dst(%dma_wait3A_134 : memref<128x16xf32, #tpu.memory_space<vmem>>)
      %add3A_141 = arith.constant 5 : i32
      %add3A_142 = arith.addi %add3A_129, %add3A_141 : i32
      %sub3A_143 = arith.constant 1 : i32
      %sub3A_144 = arith.subi %add3A_142, %sub3A_143 : i32
      %ge3A_145 = arith.constant 1 : i32
      %ge3A_146 = arith.cmpi sge, %add3A_129, %ge3A_145 : i32
      %convert_element_type3A_147 = arith.extui %ge3A_146 : i1 to i32
      %cond3A_148 = arith.constant 0 : i32
      %cond3A_149 = arith.cmpi ne, %convert_element_type3A_147, %cond3A_148 : i32
      scf.if %cond3A_149 {
        %sub3A_286 = arith.constant 1 : i32
        %sub3A_287 = arith.subi %add3A_129, %sub3A_286 : i32
        %dma_wait3A_288 = arith.constant 0 : i32
        %dma_wait3A_289 = arith.constant 0 : i32
        %dma_wait3A_290 = arith.constant 0 : i32
        %dma_wait3A_291 = tpu.memref_slice %arg7[%dma_wait3A_288, %dma_wait3A_289, %dma_wait3A_290] : memref<5x128x16xf32, #tpu.memory_space<vmem>> -> memref<1x128x16xf32, #tpu.memory_space<vmem>>
        %dma_wait3A_292 = tpu.memref_squeeze %dma_wait3A_291 : memref<1x128x16xf32, #tpu.memory_space<vmem>> -> memref<128x16xf32, #tpu.memory_space<vmem>>
        %dma_wait3A_293 = arith.constant 0 : i32
        %dma_wait3A_294 = tpu.memref_slice %arg6[%sub3A_287, %dma_wait3A_293] : memref<80x128xi32, #tpu.memory_space<vmem>> -> memref<1x128xi32, #tpu.memory_space<vmem>>
        %dma_wait3A_295 = tpu.memref_squeeze %dma_wait3A_294 : memref<1x128xi32, #tpu.memory_space<vmem>> -> memref<128xi32, #tpu.memory_space<vmem>>
        %dma_wait3A_296 = arith.constant 0 : i32
        %dma_wait3A_297 = arith.constant 0 : i32
        %dma_wait3A_298 = tpu.memref_slice %arg9[%dma_wait3A_296, %dma_wait3A_297] : memref<10240x16xf32, #tpu.memory_space<vmem_shared>> -> memref<10240x16xf32, #tpu.memory_space<vmem_shared>>
        tpu.wait_indirect_dma semaphore(%arg16 : memref<!tpu.dma_semaphore, #tpu.memory_space<semaphore_mem>>) src(%dma_wait3A_292 : memref<128x16xf32, #tpu.memory_space<vmem>>) dst(%dma_wait3A_298 : memref<10240x16xf32, #tpu.memory_space<vmem_shared>>)
      } else {
      }
      %lt3A_150 = arith.constant 80 : i32
      %lt3A_151 = arith.cmpi slt, %sub3A_144, %lt3A_150 : i32
      %convert_element_type3A_152 = arith.extui %lt3A_151 : i1 to i32
      %cond3A_153 = arith.constant 0 : i32
      %cond3A_154 = arith.cmpi ne, %convert_element_type3A_152, %cond3A_153 : i32
      scf.if %cond3A_154 {
        %dma_start3A_286 = arith.constant 0 : i32
        %dma_start3A_287 = arith.constant 0 : i32
        %dma_start3A_288 = arith.constant 0 : i32
        %dma_start3A_289 = tpu.memref_slice %arg7[%dma_start3A_286, %dma_start3A_287, %dma_start3A_288] : memref<5x128x16xf32, #tpu.memory_space<vmem>> -> memref<1x128x16xf32, #tpu.memory_space<vmem>>
        %dma_start3A_290 = tpu.memref_squeeze %dma_start3A_289 : memref<1x128x16xf32, #tpu.memory_space<vmem>> -> memref<128x16xf32, #tpu.memory_space<vmem>>
        %dma_start3A_291 = arith.constant 0 : i32
        %dma_start3A_292 = tpu.memref_slice %arg5[%sub3A_144, %dma_start3A_291] : memref<80x128xi32, #tpu.memory_space<vmem>> -> memref<1x128xi32, #tpu.memory_space<vmem>>
        %dma_start3A_293 = tpu.memref_squeeze %dma_start3A_292 : memref<1x128xi32, #tpu.memory_space<vmem>> -> memref<128xi32, #tpu.memory_space<vmem>>
        %dma_start3A_294 = arith.constant 0 : i32
        %dma_start3A_295 = arith.constant 0 : i32
        %dma_start3A_296 = tpu.memref_slice %arg10[%dma_start3A_294, %dma_start3A_295] : memref<10240x16xf32, #tpu.memory_space<vmem_shared>> -> memref<10240x16xf32, #tpu.memory_space<vmem_shared>>
        tpu.enqueue_indirect_dma source(%dma_start3A_296 : memref<10240x16xf32, #tpu.memory_space<vmem_shared>>) target(%dma_start3A_290 : memref<128x16xf32, #tpu.memory_space<vmem>>) offsets(%dma_start3A_293 : memref<128xi32, #tpu.memory_space<vmem>>) semaphore(%arg11 : memref<!tpu.dma_semaphore, #tpu.memory_space<semaphore_mem>>)
      } else {
      }
      %dma_start3A_155 = arith.constant 1 : i32
      %dma_start3A_156 = arith.constant 0 : i32
      %dma_start3A_157 = arith.constant 0 : i32
      %dma_start3A_158 = tpu.memref_slice %arg7[%dma_start3A_155, %dma_start3A_156, %dma_start3A_157] : memref<5x128x16xf32, #tpu.memory_space<vmem>> -> memref<1x128x16xf32, #tpu.memory_space<vmem>>
      %dma_start3A_159 = tpu.memref_squeeze %dma_start3A_158 : memref<1x128x16xf32, #tpu.memory_space<vmem>> -> memref<128x16xf32, #tpu.memory_space<vmem>>
      %dma_start3A_160 = arith.constant 0 : i32
      %dma_start3A_161 = tpu.memref_slice %arg6[%add3A_129, %dma_start3A_160] : memref<80x128xi32, #tpu.memory_space<vmem>> -> memref<1x128xi32, #tpu.memory_space<vmem>>
      %dma_start3A_162 = tpu.memref_squeeze %dma_start3A_161 : memref<1x128xi32, #tpu.memory_space<vmem>> -> memref<128xi32, #tpu.memory_space<vmem>>
      %dma_start3A_163 = arith.constant 0 : i32
      %dma_start3A_164 = arith.constant 0 : i32
      %dma_start3A_165 = tpu.memref_slice %arg9[%dma_start3A_163, %dma_start3A_164] : memref<10240x16xf32, #tpu.memory_space<vmem_shared>> -> memref<10240x16xf32, #tpu.memory_space<vmem_shared>>
      tpu.enqueue_indirect_dma source(%dma_start3A_159 : memref<128x16xf32, #tpu.memory_space<vmem>>) target(%dma_start3A_165 : memref<10240x16xf32, #tpu.memory_space<vmem_shared>>) offsets(%dma_start3A_162 : memref<128xi32, #tpu.memory_space<vmem>>) semaphore(%arg17 : memref<!tpu.dma_semaphore, #tpu.memory_space<semaphore_mem>>) {add = true}
      %mul3A_166 = arith.constant 5 : i32
      %mul3A_167 = arith.muli %scan3A_90, %mul3A_166 : i32
      %add3A_168 = arith.constant 2 : i32
      %add3A_169 = arith.addi %mul3A_167, %add3A_168 : i32
      %dma_wait3A_170 = arith.constant 2 : i32
      %dma_wait3A_171 = arith.constant 0 : i32
      %dma_wait3A_172 = arith.constant 0 : i32
      %dma_wait3A_173 = tpu.memref_slice %arg7[%dma_wait3A_170, %dma_wait3A_171, %dma_wait3A_172] : memref<5x128x16xf32, #tpu.memory_space<vmem>> -> memref<1x128x16xf32, #tpu.memory_space<vmem>>
      %dma_wait3A_174 = tpu.memref_squeeze %dma_wait3A_173 : memref<1x128x16xf32, #tpu.memory_space<vmem>> -> memref<128x16xf32, #tpu.memory_space<vmem>>
      %dma_wait3A_175 = arith.constant 0 : i32
      %dma_wait3A_176 = tpu.memref_slice %arg5[%add3A_169, %dma_wait3A_175] : memref<80x128xi32, #tpu.memory_space<vmem>> -> memref<1x128xi32, #tpu.memory_space<vmem>>
      %dma_wait3A_177 = tpu.memref_squeeze %dma_wait3A_176 : memref<1x128xi32, #tpu.memory_space<vmem>> -> memref<128xi32, #tpu.memory_space<vmem>>
      %dma_wait3A_178 = arith.constant 0 : i32
      %dma_wait3A_179 = arith.constant 0 : i32
      %dma_wait3A_180 = tpu.memref_slice %arg10[%dma_wait3A_178, %dma_wait3A_179] : memref<10240x16xf32, #tpu.memory_space<vmem_shared>> -> memref<10240x16xf32, #tpu.memory_space<vmem_shared>>
      tpu.wait_indirect_dma semaphore(%arg13 : memref<!tpu.dma_semaphore, #tpu.memory_space<semaphore_mem>>) src(%dma_wait3A_180 : memref<10240x16xf32, #tpu.memory_space<vmem_shared>>) dst(%dma_wait3A_174 : memref<128x16xf32, #tpu.memory_space<vmem>>)
      %add3A_181 = arith.constant 5 : i32
      %add3A_182 = arith.addi %add3A_169, %add3A_181 : i32
      %sub3A_183 = arith.constant 1 : i32
      %sub3A_184 = arith.subi %add3A_182, %sub3A_183 : i32
      %ge3A_185 = arith.constant 1 : i32
      %ge3A_186 = arith.cmpi sge, %add3A_169, %ge3A_185 : i32
      %convert_element_type3A_187 = arith.extui %ge3A_186 : i1 to i32
      %cond3A_188 = arith.constant 0 : i32
      %cond3A_189 = arith.cmpi ne, %convert_element_type3A_187, %cond3A_188 : i32
      scf.if %cond3A_189 {
        %sub3A_286 = arith.constant 1 : i32
        %sub3A_287 = arith.subi %add3A_169, %sub3A_286 : i32
        %dma_wait3A_288 = arith.constant 1 : i32
        %dma_wait3A_289 = arith.constant 0 : i32
        %dma_wait3A_290 = arith.constant 0 : i32
        %dma_wait3A_291 = tpu.memref_slice %arg7[%dma_wait3A_288, %dma_wait3A_289, %dma_wait3A_290] : memref<5x128x16xf32, #tpu.memory_space<vmem>> -> memref<1x128x16xf32, #tpu.memory_space<vmem>>
        %dma_wait3A_292 = tpu.memref_squeeze %dma_wait3A_291 : memref<1x128x16xf32, #tpu.memory_space<vmem>> -> memref<128x16xf32, #tpu.memory_space<vmem>>
        %dma_wait3A_293 = arith.constant 0 : i32
        %dma_wait3A_294 = tpu.memref_slice %arg6[%sub3A_287, %dma_wait3A_293] : memref<80x128xi32, #tpu.memory_space<vmem>> -> memref<1x128xi32, #tpu.memory_space<vmem>>
        %dma_wait3A_295 = tpu.memref_squeeze %dma_wait3A_294 : memref<1x128xi32, #tpu.memory_space<vmem>> -> memref<128xi32, #tpu.memory_space<vmem>>
        %dma_wait3A_296 = arith.constant 0 : i32
        %dma_wait3A_297 = arith.constant 0 : i32
        %dma_wait3A_298 = tpu.memref_slice %arg9[%dma_wait3A_296, %dma_wait3A_297] : memref<10240x16xf32, #tpu.memory_space<vmem_shared>> -> memref<10240x16xf32, #tpu.memory_space<vmem_shared>>
        tpu.wait_indirect_dma semaphore(%arg17 : memref<!tpu.dma_semaphore, #tpu.memory_space<semaphore_mem>>) src(%dma_wait3A_292 : memref<128x16xf32, #tpu.memory_space<vmem>>) dst(%dma_wait3A_298 : memref<10240x16xf32, #tpu.memory_space<vmem_shared>>)
      } else {
      }
      %lt3A_190 = arith.constant 80 : i32
      %lt3A_191 = arith.cmpi slt, %sub3A_184, %lt3A_190 : i32
      %convert_element_type3A_192 = arith.extui %lt3A_191 : i1 to i32
      %cond3A_193 = arith.constant 0 : i32
      %cond3A_194 = arith.cmpi ne, %convert_element_type3A_192, %cond3A_193 : i32
      scf.if %cond3A_194 {
        %dma_start3A_286 = arith.constant 1 : i32
        %dma_start3A_287 = arith.constant 0 : i32
        %dma_start3A_288 = arith.constant 0 : i32
        %dma_start3A_289 = tpu.memref_slice %arg7[%dma_start3A_286, %dma_start3A_287, %dma_start3A_288] : memref<5x128x16xf32, #tpu.memory_space<vmem>> -> memref<1x128x16xf32, #tpu.memory_space<vmem>>
        %dma_start3A_290 = tpu.memref_squeeze %dma_start3A_289 : memref<1x128x16xf32, #tpu.memory_space<vmem>> -> memref<128x16xf32, #tpu.memory_space<vmem>>
        %dma_start3A_291 = arith.constant 0 : i32
        %dma_start3A_292 = tpu.memref_slice %arg5[%sub3A_184, %dma_start3A_291] : memref<80x128xi32, #tpu.memory_space<vmem>> -> memref<1x128xi32, #tpu.memory_space<vmem>>
        %dma_start3A_293 = tpu.memref_squeeze %dma_start3A_292 : memref<1x128xi32, #tpu.memory_space<vmem>> -> memref<128xi32, #tpu.memory_space<vmem>>
        %dma_start3A_294 = arith.constant 0 : i32
        %dma_start3A_295 = arith.constant 0 : i32
        %dma_start3A_296 = tpu.memref_slice %arg10[%dma_start3A_294, %dma_start3A_295] : memref<10240x16xf32, #tpu.memory_space<vmem_shared>> -> memref<10240x16xf32, #tpu.memory_space<vmem_shared>>
        tpu.enqueue_indirect_dma source(%dma_start3A_296 : memref<10240x16xf32, #tpu.memory_space<vmem_shared>>) target(%dma_start3A_290 : memref<128x16xf32, #tpu.memory_space<vmem>>) offsets(%dma_start3A_293 : memref<128xi32, #tpu.memory_space<vmem>>) semaphore(%arg12 : memref<!tpu.dma_semaphore, #tpu.memory_space<semaphore_mem>>)
      } else {
      }
      %dma_start3A_195 = arith.constant 2 : i32
      %dma_start3A_196 = arith.constant 0 : i32
      %dma_start3A_197 = arith.constant 0 : i32
      %dma_start3A_198 = tpu.memref_slice %arg7[%dma_start3A_195, %dma_start3A_196, %dma_start3A_197] : memref<5x128x16xf32, #tpu.memory_space<vmem>> -> memref<1x128x16xf32, #tpu.memory_space<vmem>>
      %dma_start3A_199 = tpu.memref_squeeze %dma_start3A_198 : memref<1x128x16xf32, #tpu.memory_space<vmem>> -> memref<128x16xf32, #tpu.memory_space<vmem>>
      %dma_start3A_200 = arith.constant 0 : i32
      %dma_start3A_201 = tpu.memref_slice %arg6[%add3A_169, %dma_start3A_200] : memref<80x128xi32, #tpu.memory_space<vmem>> -> memref<1x128xi32, #tpu.memory_space<vmem>>
      %dma_start3A_202 = tpu.memref_squeeze %dma_start3A_201 : memref<1x128xi32, #tpu.memory_space<vmem>> -> memref<128xi32, #tpu.memory_space<vmem>>
      %dma_start3A_203 = arith.constant 0 : i32
      %dma_start3A_204 = arith.constant 0 : i32
      %dma_start3A_205 = tpu.memref_slice %arg9[%dma_start3A_203, %dma_start3A_204] : memref<10240x16xf32, #tpu.memory_space<vmem_shared>> -> memref<10240x16xf32, #tpu.memory_space<vmem_shared>>
      tpu.enqueue_indirect_dma source(%dma_start3A_199 : memref<128x16xf32, #tpu.memory_space<vmem>>) target(%dma_start3A_205 : memref<10240x16xf32, #tpu.memory_space<vmem_shared>>) offsets(%dma_start3A_202 : memref<128xi32, #tpu.memory_space<vmem>>) semaphore(%arg18 : memref<!tpu.dma_semaphore, #tpu.memory_space<semaphore_mem>>) {add = true}
      %mul3A_206 = arith.constant 5 : i32
      %mul3A_207 = arith.muli %scan3A_90, %mul3A_206 : i32
      %add3A_208 = arith.constant 3 : i32
      %add3A_209 = arith.addi %mul3A_207, %add3A_208 : i32
      %dma_wait3A_210 = arith.constant 3 : i32
      %dma_wait3A_211 = arith.constant 0 : i32
      %dma_wait3A_212 = arith.constant 0 : i32
      %dma_wait3A_213 = tpu.memref_slice %arg7[%dma_wait3A_210, %dma_wait3A_211, %dma_wait3A_212] : memref<5x128x16xf32, #tpu.memory_space<vmem>> -> memref<1x128x16xf32, #tpu.memory_space<vmem>>
      %dma_wait3A_214 = tpu.memref_squeeze %dma_wait3A_213 : memref<1x128x16xf32, #tpu.memory_space<vmem>> -> memref<128x16xf32, #tpu.memory_space<vmem>>
      %dma_wait3A_215 = arith.constant 0 : i32
      %dma_wait3A_216 = tpu.memref_slice %arg5[%add3A_209, %dma_wait3A_215] : memref<80x128xi32, #tpu.memory_space<vmem>> -> memref<1x128xi32, #tpu.memory_space<vmem>>
      %dma_wait3A_217 = tpu.memref_squeeze %dma_wait3A_216 : memref<1x128xi32, #tpu.memory_space<vmem>> -> memref<128xi32, #tpu.memory_space<vmem>>
      %dma_wait3A_218 = arith.constant 0 : i32
      %dma_wait3A_219 = arith.constant 0 : i32
      %dma_wait3A_220 = tpu.memref_slice %arg10[%dma_wait3A_218, %dma_wait3A_219] : memref<10240x16xf32, #tpu.memory_space<vmem_shared>> -> memref<10240x16xf32, #tpu.memory_space<vmem_shared>>
      tpu.wait_indirect_dma semaphore(%arg14 : memref<!tpu.dma_semaphore, #tpu.memory_space<semaphore_mem>>) src(%dma_wait3A_220 : memref<10240x16xf32, #tpu.memory_space<vmem_shared>>) dst(%dma_wait3A_214 : memref<128x16xf32, #tpu.memory_space<vmem>>)
      %add3A_221 = arith.constant 5 : i32
      %add3A_222 = arith.addi %add3A_209, %add3A_221 : i32
      %sub3A_223 = arith.constant 1 : i32
      %sub3A_224 = arith.subi %add3A_222, %sub3A_223 : i32
      %ge3A_225 = arith.constant 1 : i32
      %ge3A_226 = arith.cmpi sge, %add3A_209, %ge3A_225 : i32
      %convert_element_type3A_227 = arith.extui %ge3A_226 : i1 to i32
      %cond3A_228 = arith.constant 0 : i32
      %cond3A_229 = arith.cmpi ne, %convert_element_type3A_227, %cond3A_228 : i32
      scf.if %cond3A_229 {
        %sub3A_286 = arith.constant 1 : i32
        %sub3A_287 = arith.subi %add3A_209, %sub3A_286 : i32
        %dma_wait3A_288 = arith.constant 2 : i32
        %dma_wait3A_289 = arith.constant 0 : i32
        %dma_wait3A_290 = arith.constant 0 : i32
        %dma_wait3A_291 = tpu.memref_slice %arg7[%dma_wait3A_288, %dma_wait3A_289, %dma_wait3A_290] : memref<5x128x16xf32, #tpu.memory_space<vmem>> -> memref<1x128x16xf32, #tpu.memory_space<vmem>>
        %dma_wait3A_292 = tpu.memref_squeeze %dma_wait3A_291 : memref<1x128x16xf32, #tpu.memory_space<vmem>> -> memref<128x16xf32, #tpu.memory_space<vmem>>
        %dma_wait3A_293 = arith.constant 0 : i32
        %dma_wait3A_294 = tpu.memref_slice %arg6[%sub3A_287, %dma_wait3A_293] : memref<80x128xi32, #tpu.memory_space<vmem>> -> memref<1x128xi32, #tpu.memory_space<vmem>>
        %dma_wait3A_295 = tpu.memref_squeeze %dma_wait3A_294 : memref<1x128xi32, #tpu.memory_space<vmem>> -> memref<128xi32, #tpu.memory_space<vmem>>
        %dma_wait3A_296 = arith.constant 0 : i32
        %dma_wait3A_297 = arith.constant 0 : i32
        %dma_wait3A_298 = tpu.memref_slice %arg9[%dma_wait3A_296, %dma_wait3A_297] : memref<10240x16xf32, #tpu.memory_space<vmem_shared>> -> memref<10240x16xf32, #tpu.memory_space<vmem_shared>>
        tpu.wait_indirect_dma semaphore(%arg18 : memref<!tpu.dma_semaphore, #tpu.memory_space<semaphore_mem>>) src(%dma_wait3A_292 : memref<128x16xf32, #tpu.memory_space<vmem>>) dst(%dma_wait3A_298 : memref<10240x16xf32, #tpu.memory_space<vmem_shared>>)
      } else {
      }
      %lt3A_230 = arith.constant 80 : i32
      %lt3A_231 = arith.cmpi slt, %sub3A_224, %lt3A_230 : i32
      %convert_element_type3A_232 = arith.extui %lt3A_231 : i1 to i32
      %cond3A_233 = arith.constant 0 : i32
      %cond3A_234 = arith.cmpi ne, %convert_element_type3A_232, %cond3A_233 : i32
      scf.if %cond3A_234 {
        %dma_start3A_286 = arith.constant 2 : i32
        %dma_start3A_287 = arith.constant 0 : i32
        %dma_start3A_288 = arith.constant 0 : i32
        %dma_start3A_289 = tpu.memref_slice %arg7[%dma_start3A_286, %dma_start3A_287, %dma_start3A_288] : memref<5x128x16xf32, #tpu.memory_space<vmem>> -> memref<1x128x16xf32, #tpu.memory_space<vmem>>
        %dma_start3A_290 = tpu.memref_squeeze %dma_start3A_289 : memref<1x128x16xf32, #tpu.memory_space<vmem>> -> memref<128x16xf32, #tpu.memory_space<vmem>>
        %dma_start3A_291 = arith.constant 0 : i32
        %dma_start3A_292 = tpu.memref_slice %arg5[%sub3A_224, %dma_start3A_291] : memref<80x128xi32, #tpu.memory_space<vmem>> -> memref<1x128xi32, #tpu.memory_space<vmem>>
        %dma_start3A_293 = tpu.memref_squeeze %dma_start3A_292 : memref<1x128xi32, #tpu.memory_space<vmem>> -> memref<128xi32, #tpu.memory_space<vmem>>
        %dma_start3A_294 = arith.constant 0 : i32
        %dma_start3A_295 = arith.constant 0 : i32
        %dma_start3A_296 = tpu.memref_slice %arg10[%dma_start3A_294, %dma_start3A_295] : memref<10240x16xf32, #tpu.memory_space<vmem_shared>> -> memref<10240x16xf32, #tpu.memory_space<vmem_shared>>
        tpu.enqueue_indirect_dma source(%dma_start3A_296 : memref<10240x16xf32, #tpu.memory_space<vmem_shared>>) target(%dma_start3A_290 : memref<128x16xf32, #tpu.memory_space<vmem>>) offsets(%dma_start3A_293 : memref<128xi32, #tpu.memory_space<vmem>>) semaphore(%arg13 : memref<!tpu.dma_semaphore, #tpu.memory_space<semaphore_mem>>)
      } else {
      }
      %dma_start3A_235 = arith.constant 3 : i32
      %dma_start3A_236 = arith.constant 0 : i32
      %dma_start3A_237 = arith.constant 0 : i32
      %dma_start3A_238 = tpu.memref_slice %arg7[%dma_start3A_235, %dma_start3A_236, %dma_start3A_237] : memref<5x128x16xf32, #tpu.memory_space<vmem>> -> memref<1x128x16xf32, #tpu.memory_space<vmem>>
      %dma_start3A_239 = tpu.memref_squeeze %dma_start3A_238 : memref<1x128x16xf32, #tpu.memory_space<vmem>> -> memref<128x16xf32, #tpu.memory_space<vmem>>
      %dma_start3A_240 = arith.constant 0 : i32
      %dma_start3A_241 = tpu.memref_slice %arg6[%add3A_209, %dma_start3A_240] : memref<80x128xi32, #tpu.memory_space<vmem>> -> memref<1x128xi32, #tpu.memory_space<vmem>>
      %dma_start3A_242 = tpu.memref_squeeze %dma_start3A_241 : memref<1x128xi32, #tpu.memory_space<vmem>> -> memref<128xi32, #tpu.memory_space<vmem>>
      %dma_start3A_243 = arith.constant 0 : i32
      %dma_start3A_244 = arith.constant 0 : i32
      %dma_start3A_245 = tpu.memref_slice %arg9[%dma_start3A_243, %dma_start3A_244] : memref<10240x16xf32, #tpu.memory_space<vmem_shared>> -> memref<10240x16xf32, #tpu.memory_space<vmem_shared>>
      tpu.enqueue_indirect_dma source(%dma_start3A_239 : memref<128x16xf32, #tpu.memory_space<vmem>>) target(%dma_start3A_245 : memref<10240x16xf32, #tpu.memory_space<vmem_shared>>) offsets(%dma_start3A_242 : memref<128xi32, #tpu.memory_space<vmem>>) semaphore(%arg19 : memref<!tpu.dma_semaphore, #tpu.memory_space<semaphore_mem>>) {add = true}
      %mul3A_246 = arith.constant 5 : i32
      %mul3A_247 = arith.muli %scan3A_90, %mul3A_246 : i32
      %add3A_248 = arith.constant 4 : i32
      %add3A_249 = arith.addi %mul3A_247, %add3A_248 : i32
      %dma_wait3A_250 = arith.constant 4 : i32
      %dma_wait3A_251 = arith.constant 0 : i32
      %dma_wait3A_252 = arith.constant 0 : i32
      %dma_wait3A_253 = tpu.memref_slice %arg7[%dma_wait3A_250, %dma_wait3A_251, %dma_wait3A_252] : memref<5x128x16xf32, #tpu.memory_space<vmem>> -> memref<1x128x16xf32, #tpu.memory_space<vmem>>
      %dma_wait3A_254 = tpu.memref_squeeze %dma_wait3A_253 : memref<1x128x16xf32, #tpu.memory_space<vmem>> -> memref<128x16xf32, #tpu.memory_space<vmem>>
      %dma_wait3A_255 = arith.constant 0 : i32
      %dma_wait3A_256 = tpu.memref_slice %arg5[%add3A_249, %dma_wait3A_255] : memref<80x128xi32, #tpu.memory_space<vmem>> -> memref<1x128xi32, #tpu.memory_space<vmem>>
      %dma_wait3A_257 = tpu.memref_squeeze %dma_wait3A_256 : memref<1x128xi32, #tpu.memory_space<vmem>> -> memref<128xi32, #tpu.memory_space<vmem>>
      %dma_wait3A_258 = arith.constant 0 : i32
      %dma_wait3A_259 = arith.constant 0 : i32
      %dma_wait3A_260 = tpu.memref_slice %arg10[%dma_wait3A_258, %dma_wait3A_259] : memref<10240x16xf32, #tpu.memory_space<vmem_shared>> -> memref<10240x16xf32, #tpu.memory_space<vmem_shared>>
      tpu.wait_indirect_dma semaphore(%arg15 : memref<!tpu.dma_semaphore, #tpu.memory_space<semaphore_mem>>) src(%dma_wait3A_260 : memref<10240x16xf32, #tpu.memory_space<vmem_shared>>) dst(%dma_wait3A_254 : memref<128x16xf32, #tpu.memory_space<vmem>>)
      %add3A_261 = arith.constant 5 : i32
      %add3A_262 = arith.addi %add3A_249, %add3A_261 : i32
      %sub3A_263 = arith.constant 1 : i32
      %sub3A_264 = arith.subi %add3A_262, %sub3A_263 : i32
      %ge3A_265 = arith.constant 1 : i32
      %ge3A_266 = arith.cmpi sge, %add3A_249, %ge3A_265 : i32
      %convert_element_type3A_267 = arith.extui %ge3A_266 : i1 to i32
      %cond3A_268 = arith.constant 0 : i32
      %cond3A_269 = arith.cmpi ne, %convert_element_type3A_267, %cond3A_268 : i32
      scf.if %cond3A_269 {
        %sub3A_286 = arith.constant 1 : i32
        %sub3A_287 = arith.subi %add3A_249, %sub3A_286 : i32
        %dma_wait3A_288 = arith.constant 3 : i32
        %dma_wait3A_289 = arith.constant 0 : i32
        %dma_wait3A_290 = arith.constant 0 : i32
        %dma_wait3A_291 = tpu.memref_slice %arg7[%dma_wait3A_288, %dma_wait3A_289, %dma_wait3A_290] : memref<5x128x16xf32, #tpu.memory_space<vmem>> -> memref<1x128x16xf32, #tpu.memory_space<vmem>>
        %dma_wait3A_292 = tpu.memref_squeeze %dma_wait3A_291 : memref<1x128x16xf32, #tpu.memory_space<vmem>> -> memref<128x16xf32, #tpu.memory_space<vmem>>
        %dma_wait3A_293 = arith.constant 0 : i32
        %dma_wait3A_294 = tpu.memref_slice %arg6[%sub3A_287, %dma_wait3A_293] : memref<80x128xi32, #tpu.memory_space<vmem>> -> memref<1x128xi32, #tpu.memory_space<vmem>>
        %dma_wait3A_295 = tpu.memref_squeeze %dma_wait3A_294 : memref<1x128xi32, #tpu.memory_space<vmem>> -> memref<128xi32, #tpu.memory_space<vmem>>
        %dma_wait3A_296 = arith.constant 0 : i32
        %dma_wait3A_297 = arith.constant 0 : i32
        %dma_wait3A_298 = tpu.memref_slice %arg9[%dma_wait3A_296, %dma_wait3A_297] : memref<10240x16xf32, #tpu.memory_space<vmem_shared>> -> memref<10240x16xf32, #tpu.memory_space<vmem_shared>>
        tpu.wait_indirect_dma semaphore(%arg19 : memref<!tpu.dma_semaphore, #tpu.memory_space<semaphore_mem>>) src(%dma_wait3A_292 : memref<128x16xf32, #tpu.memory_space<vmem>>) dst(%dma_wait3A_298 : memref<10240x16xf32, #tpu.memory_space<vmem_shared>>)
      } else {
      }
      %lt3A_270 = arith.constant 80 : i32
      %lt3A_271 = arith.cmpi slt, %sub3A_264, %lt3A_270 : i32
      %convert_element_type3A_272 = arith.extui %lt3A_271 : i1 to i32
      %cond3A_273 = arith.constant 0 : i32
      %cond3A_274 = arith.cmpi ne, %convert_element_type3A_272, %cond3A_273 : i32
      scf.if %cond3A_274 {
        %dma_start3A_286 = arith.constant 3 : i32
        %dma_start3A_287 = arith.constant 0 : i32
        %dma_start3A_288 = arith.constant 0 : i32
        %dma_start3A_289 = tpu.memref_slice %arg7[%dma_start3A_286, %dma_start3A_287, %dma_start3A_288] : memref<5x128x16xf32, #tpu.memory_space<vmem>> -> memref<1x128x16xf32, #tpu.memory_space<vmem>>
        %dma_start3A_290 = tpu.memref_squeeze %dma_start3A_289 : memref<1x128x16xf32, #tpu.memory_space<vmem>> -> memref<128x16xf32, #tpu.memory_space<vmem>>
        %dma_start3A_291 = arith.constant 0 : i32
        %dma_start3A_292 = tpu.memref_slice %arg5[%sub3A_264, %dma_start3A_291] : memref<80x128xi32, #tpu.memory_space<vmem>> -> memref<1x128xi32, #tpu.memory_space<vmem>>
        %dma_start3A_293 = tpu.memref_squeeze %dma_start3A_292 : memref<1x128xi32, #tpu.memory_space<vmem>> -> memref<128xi32, #tpu.memory_space<vmem>>
        %dma_start3A_294 = arith.constant 0 : i32
        %dma_start3A_295 = arith.constant 0 : i32
        %dma_start3A_296 = tpu.memref_slice %arg10[%dma_start3A_294, %dma_start3A_295] : memref<10240x16xf32, #tpu.memory_space<vmem_shared>> -> memref<10240x16xf32, #tpu.memory_space<vmem_shared>>
        tpu.enqueue_indirect_dma source(%dma_start3A_296 : memref<10240x16xf32, #tpu.memory_space<vmem_shared>>) target(%dma_start3A_290 : memref<128x16xf32, #tpu.memory_space<vmem>>) offsets(%dma_start3A_293 : memref<128xi32, #tpu.memory_space<vmem>>) semaphore(%arg14 : memref<!tpu.dma_semaphore, #tpu.memory_space<semaphore_mem>>)
      } else {
      }
      %dma_start3A_275 = arith.constant 4 : i32
      %dma_start3A_276 = arith.constant 0 : i32
      %dma_start3A_277 = arith.constant 0 : i32
      %dma_start3A_278 = tpu.memref_slice %arg7[%dma_start3A_275, %dma_start3A_276, %dma_start3A_277] : memref<5x128x16xf32, #tpu.memory_space<vmem>> -> memref<1x128x16xf32, #tpu.memory_space<vmem>>
      %dma_start3A_279 = tpu.memref_squeeze %dma_start3A_278 : memref<1x128x16xf32, #tpu.memory_space<vmem>> -> memref<128x16xf32, #tpu.memory_space<vmem>>
      %dma_start3A_280 = arith.constant 0 : i32
      %dma_start3A_281 = tpu.memref_slice %arg6[%add3A_249, %dma_start3A_280] : memref<80x128xi32, #tpu.memory_space<vmem>> -> memref<1x128xi32, #tpu.memory_space<vmem>>
      %dma_start3A_282 = tpu.memref_squeeze %dma_start3A_281 : memref<1x128xi32, #tpu.memory_space<vmem>> -> memref<128xi32, #tpu.memory_space<vmem>>
      %dma_start3A_283 = arith.constant 0 : i32
      %dma_start3A_284 = arith.constant 0 : i32
      %dma_start3A_285 = tpu.memref_slice %arg9[%dma_start3A_283, %dma_start3A_284] : memref<10240x16xf32, #tpu.memory_space<vmem_shared>> -> memref<10240x16xf32, #tpu.memory_space<vmem_shared>>
      tpu.enqueue_indirect_dma source(%dma_start3A_279 : memref<128x16xf32, #tpu.memory_space<vmem>>) target(%dma_start3A_285 : memref<10240x16xf32, #tpu.memory_space<vmem_shared>>) offsets(%dma_start3A_282 : memref<128xi32, #tpu.memory_space<vmem>>) semaphore(%arg20 : memref<!tpu.dma_semaphore, #tpu.memory_space<semaphore_mem>>) {add = true}
    }
    %scan3A_73 = arith.constant 16 : i32
    %dma_wait3A = arith.constant 4 : i32
    %dma_wait3A_74 = arith.constant 79 : i32
    %dma_wait3A_75 = arith.constant 0 : i32
    %dma_wait3A_76 = arith.constant 0 : i32
    %dma_wait3A_77 = tpu.memref_slice %arg7[%dma_wait3A, %dma_wait3A_75, %dma_wait3A_76] : memref<5x128x16xf32, #tpu.memory_space<vmem>> -> memref<1x128x16xf32, #tpu.memory_space<vmem>>
    %dma_wait3A_78 = tpu.memref_squeeze %dma_wait3A_77 : memref<1x128x16xf32, #tpu.memory_space<vmem>> -> memref<128x16xf32, #tpu.memory_space<vmem>>
    %dma_wait3A_79 = arith.constant 0 : i32
    %dma_wait3A_80 = tpu.memref_slice %arg6[%dma_wait3A_74, %dma_wait3A_79] : memref<80x128xi32, #tpu.memory_space<vmem>> -> memref<1x128xi32, #tpu.memory_space<vmem>>
    %dma_wait3A_81 = tpu.memref_squeeze %dma_wait3A_80 : memref<1x128xi32, #tpu.memory_space<vmem>> -> memref<128xi32, #tpu.memory_space<vmem>>
    %dma_wait3A_82 = arith.constant 0 : i32
    %dma_wait3A_83 = arith.constant 0 : i32
    %dma_wait3A_84 = tpu.memref_slice %arg9[%dma_wait3A_82, %dma_wait3A_83] : memref<10240x16xf32, #tpu.memory_space<vmem_shared>> -> memref<10240x16xf32, #tpu.memory_space<vmem_shared>>
    tpu.wait_indirect_dma semaphore(%arg20 : memref<!tpu.dma_semaphore, #tpu.memory_space<semaphore_mem>>) src(%dma_wait3A_78 : memref<128x16xf32, #tpu.memory_space<vmem>>) dst(%dma_wait3A_84 : memref<10240x16xf32, #tpu.memory_space<vmem_shared>>)
    %barrier3A_85 = arith.constant 0 : index
    tpu.barrier barrier_id(%barrier3A_85)
    %mul3A_86 = arith.constant 640 : i32
    %mul3A_87 = arith.muli %arg1, %mul3A_86 : i32
    %mul3A_88 = arith.constant 640 : i32
    %mul3A_89 = arith.muli %arg1, %mul3A_88 : i32
    "tpu.region"() ({
      %run_scoped3A_90 = tpu.sem_alloc : memref<!tpu.dma_semaphore, #tpu.memory_space<semaphore_mem>>
      %dma_start3A_91 = arith.constant 0 : i32
      %dma_start3A_92 = tpu.memref_slice %arg4[%arg0, %mul3A_89, %dma_start3A_91] : memref<2x10240x16xf32, #tpu.memory_space<hbm>> -> memref<1x640x16xf32, #tpu.memory_space<hbm>>
      %dma_start3A_93 = tpu.memref_squeeze %dma_start3A_92 : memref<1x640x16xf32, #tpu.memory_space<hbm>> -> memref<640x16xf32, #tpu.memory_space<hbm>>
      %dma_start3A_94 = arith.constant 0 : i32
      %dma_start3A_95 = tpu.memref_slice %arg9[%mul3A_87, %dma_start3A_94] : memref<10240x16xf32, #tpu.memory_space<vmem_shared>> -> memref<640x16xf32, #tpu.memory_space<vmem_shared>>
      tpu.enqueue_dma source(%dma_start3A_95 : memref<640x16xf32, #tpu.memory_space<vmem_shared>>) target(%dma_start3A_93 : memref<640x16xf32, #tpu.memory_space<hbm>>) target_semaphore(%run_scoped3A_90 : memref<!tpu.dma_semaphore, #tpu.memory_space<semaphore_mem>>)
      %dma_wait3A_96 = arith.constant 0 : i32
      %dma_wait3A_97 = tpu.memref_slice %arg4[%arg0, %mul3A_89, %dma_wait3A_96] : memref<2x10240x16xf32, #tpu.memory_space<hbm>> -> memref<1x640x16xf32, #tpu.memory_space<hbm>>
      %dma_wait3A_98 = tpu.memref_squeeze %dma_wait3A_97 : memref<1x640x16xf32, #tpu.memory_space<hbm>> -> memref<640x16xf32, #tpu.memory_space<hbm>>
      %dma_wait3A_99 = arith.constant 0 : i32
      %dma_wait3A_100 = tpu.memref_slice %arg9[%mul3A_87, %dma_wait3A_99] : memref<10240x16xf32, #tpu.memory_space<vmem_shared>> -> memref<640x16xf32, #tpu.memory_space<vmem_shared>>
      tpu.wait_dma2 semaphore(%run_scoped3A_90 : memref<!tpu.dma_semaphore, #tpu.memory_space<semaphore_mem>>) src(%dma_wait3A_100 : memref<640x16xf32, #tpu.memory_space<vmem_shared>>) dst(%dma_wait3A_98 : memref<640x16xf32, #tpu.memory_space<hbm>>)
      tpu.yield
    }) : () -> ()
    return
  }
}

module attributes {stable_mosaic.version = 14 : i64} {
  func.func @body(%arg0: memref<10000x128xf32, #tpu.memory_space<vmem>>, %arg1: memref<128x64xf32, #tpu.memory_space<vmem>>, %arg2: memref<5120x128xbf16, #tpu.memory_space<vmem>>) attributes {dimension_semantics = [], scalar_prefetch = 0 : i64, scratch_operands = 0 : i64, tpu.core_type = #tpu.core_type<tc>} {
    %get3A = arith.constant 0 : index
    %get3A_0 = arith.constant 0 : index
    %get3A_1 = vector.load %arg0[%get3A, %get3A_0] : memref<10000x128xf32, #tpu.memory_space<vmem>>, vector<10000x128xf32>
    %reshape3A = vector.shape_cast %get3A_1 : vector<10000x128xf32> to vector<5000x2x128xf32>
    %get3A_2 = arith.constant 0 : index
    %get3A_3 = arith.constant 0 : index
    %get3A_4 = vector.load %arg1[%get3A_2, %get3A_3] : memref<128x64xf32, #tpu.memory_space<vmem>>, vector<128x64xf32>
    %slice3A = vector.extract_strided_slice %reshape3A {offsets = [0, 0, 0], sizes = [5000, 1, 128], strides = [1, 1, 1]} : vector<5000x2x128xf32> to vector<5000x1x128xf32>
    %squeeze3A = vector.shape_cast %slice3A : vector<5000x1x128xf32> to vector<5000x128xf32>
    %dot_general3A = arith.constant dense<0.000000e+00> : vector<5000x64xf32>
    %dot_general3A_5 = tpu.matmul %squeeze3A, %get3A_4, %dot_general3A {dimension_numbers = #tpu.dot_dimension_numbers<[1], [0], [0], [1], [0, 0, 1, 1], [], []>, transpose_lhs_hint = false} : vector<5000x128xf32>, vector<128x64xf32>, vector<5000x64xf32> -> vector<5000x64xf32>
    %slice3A_6 = vector.extract_strided_slice %reshape3A {offsets = [0, 1, 0], sizes = [5000, 1, 128], strides = [1, 1, 1]} : vector<5000x2x128xf32> to vector<5000x1x128xf32>
    %squeeze3A_7 = vector.shape_cast %slice3A_6 : vector<5000x1x128xf32> to vector<5000x128xf32>
    %dot_general3A_8 = arith.constant dense<0.000000e+00> : vector<5000x64xf32>
    %dot_general3A_9 = tpu.matmul %squeeze3A_7, %get3A_4, %dot_general3A_8 {dimension_numbers = #tpu.dot_dimension_numbers<[1], [0], [0], [1], [0, 0, 1, 1], [], []>, transpose_lhs_hint = false} : vector<5000x128xf32>, vector<128x64xf32>, vector<5000x64xf32> -> vector<5000x64xf32>
    %concatenate3A = tpu.concatenate %dot_general3A_5, %dot_general3A_9 in 1 : vector<5000x64xf32>, vector<5000x64xf32> -> vector<5000x128xf32>
    %convert_element_type3A = arith.truncf %concatenate3A : vector<5000x128xf32> to vector<5000x128xbf16>
    %broadcast_in_dim3A = arith.constant 0.000000e+00 : bf16
    %broadcast_in_dim3A_10 = vector.broadcast %broadcast_in_dim3A : bf16 to vector<120x128xbf16>
    %concatenate3A_11 = tpu.concatenate %convert_element_type3A, %broadcast_in_dim3A_10 in 0 : vector<5000x128xbf16>, vector<120x128xbf16> -> vector<5120x128xbf16>
    %swap3A = arith.constant 0 : index
    %swap3A_12 = arith.constant 0 : index
    %swap3A_13 = vector.load %arg2[%swap3A, %swap3A_12] : memref<5120x128xbf16, #tpu.memory_space<vmem>>, vector<5120x128xbf16>
    tpu.vector_store %arg2[%swap3A, %swap3A_12], %concatenate3A_11 {strides = array<i32>} : memref<5120x128xbf16, #tpu.memory_space<vmem>>, vector<5120x128xbf16>,
    return
  }
}

module attributes {stable_mosaic.version = 14 : i64} {
  func.func @body(%arg0: memref<5120x128xbf16, #tpu.memory_space<vmem>>, %arg1: memref<2x5120x128xbf16, #tpu.memory_space<vmem>>, %arg2: memref<1x128xf32, #tpu.memory_space<vmem>>, %arg3: memref<64x16xf32, #tpu.memory_space<vmem>>, %arg4: memref<5120x32xf32, #tpu.memory_space<vmem>>) attributes {dimension_semantics = [], scalar_prefetch = 0 : i64, scratch_operands = 0 : i64, tpu.core_type = #tpu.core_type<tc>} {
    %get3A = arith.constant 0 : index
    %get3A_0 = arith.constant 0 : index
    %get3A_1 = vector.load %arg0[%get3A, %get3A_0] : memref<5120x128xbf16, #tpu.memory_space<vmem>>, vector<5000x128xbf16>
    %convert_element_type3A = arith.extf %get3A_1 : vector<5000x128xbf16> to vector<5000x128xf32>
    %get3A_2 = arith.constant 0 : index
    %get3A_3 = arith.constant 0 : index
    %get3A_4 = arith.constant 0 : index
    %get3A_5 = vector.load %arg1[%get3A_2, %get3A_3, %get3A_4] : memref<2x5120x128xbf16, #tpu.memory_space<vmem>>, vector<1x5000x128xbf16>
    %get3A_6 = vector.shape_cast %get3A_5 : vector<1x5000x128xbf16> to vector<5000x128xbf16>
    %convert_element_type3A_7 = arith.extf %get3A_6 : vector<5000x128xbf16> to vector<5000x128xf32>
    %add3A = arith.addf %convert_element_type3A, %convert_element_type3A_7 : vector<5000x128xf32>
    %get3A_8 = arith.constant 1 : index
    %get3A_9 = arith.constant 0 : index
    %get3A_10 = arith.constant 0 : index
    %get3A_11 = vector.load %arg1[%get3A_8, %get3A_9, %get3A_10] : memref<2x5120x128xbf16, #tpu.memory_space<vmem>>, vector<1x5000x128xbf16>
    %get3A_12 = vector.shape_cast %get3A_11 : vector<1x5000x128xbf16> to vector<5000x128xbf16>
    %convert_element_type3A_13 = arith.extf %get3A_12 : vector<5000x128xbf16> to vector<5000x128xf32>
    %add3A_14 = arith.addf %add3A, %convert_element_type3A_13 : vector<5000x128xf32>
    %get3A_15 = arith.constant 0 : index
    %get3A_16 = arith.constant 0 : index
    %get3A_17 = vector.load %arg2[%get3A_15, %get3A_16] : memref<1x128xf32, #tpu.memory_space<vmem>>, vector<1x128xf32>
    %add3A_18 = vector.broadcast %get3A_17 : vector<1x128xf32> to vector<5000x128xf32>
    %add3A_19 = arith.addf %add3A_14, %add3A_18 : vector<5000x128xf32>
    %max3A = arith.constant 0.000000e+00 : f32
    %max3A_20 = vector.broadcast %max3A : f32 to vector<5000x128xf32>
    %max3A_21 = arith.maximumf %add3A_19, %max3A_20 : vector<5000x128xf32>
    %get3A_22 = arith.constant 0 : index
    %get3A_23 = arith.constant 0 : index
    %get3A_24 = vector.load %arg3[%get3A_22, %get3A_23] : memref<64x16xf32, #tpu.memory_space<vmem>>, vector<64x16xf32>
    %slice3A = vector.extract_strided_slice %max3A_21 {offsets = [0, 0], sizes = [5000, 64], strides = [1, 1]} : vector<5000x128xf32> to vector<5000x64xf32>
    %dot_general3A = arith.constant dense<0.000000e+00> : vector<5000x16xf32>
    %dot_general3A_25 = tpu.matmul %slice3A, %get3A_24, %dot_general3A {dimension_numbers = #tpu.dot_dimension_numbers<[1], [0], [0], [1], [0, 0, 1, 1], [], []>, transpose_lhs_hint = false} : vector<5000x64xf32>, vector<64x16xf32>, vector<5000x16xf32> -> vector<5000x16xf32>
    %slice3A_26 = vector.extract_strided_slice %max3A_21 {offsets = [0, 64], sizes = [5000, 64], strides = [1, 1]} : vector<5000x128xf32> to vector<5000x64xf32>
    %dot_general3A_27 = arith.constant dense<0.000000e+00> : vector<5000x16xf32>
    %dot_general3A_28 = tpu.matmul %slice3A_26, %get3A_24, %dot_general3A_27 {dimension_numbers = #tpu.dot_dimension_numbers<[1], [0], [0], [1], [0, 0, 1, 1], [], []>, transpose_lhs_hint = false} : vector<5000x64xf32>, vector<64x16xf32>, vector<5000x16xf32> -> vector<5000x16xf32>
    %concatenate3A = tpu.concatenate %dot_general3A_25, %dot_general3A_28 in 1 : vector<5000x16xf32>, vector<5000x16xf32> -> vector<5000x32xf32>
    %broadcast_in_dim3A = arith.constant 0.000000e+00 : f32
    %broadcast_in_dim3A_29 = vector.broadcast %broadcast_in_dim3A : f32 to vector<120x32xf32>
    %concatenate3A_30 = tpu.concatenate %concatenate3A, %broadcast_in_dim3A_29 in 0 : vector<5000x32xf32>, vector<120x32xf32> -> vector<5120x32xf32>
    %swap3A = arith.constant 0 : index
    %swap3A_31 = arith.constant 0 : index
    %swap3A_32 = vector.load %arg4[%swap3A, %swap3A_31] : memref<5120x32xf32, #tpu.memory_space<vmem>>, vector<5120x32xf32>
    tpu.vector_store %arg4[%swap3A, %swap3A_31], %concatenate3A_30 {strides = array<i32>} : memref<5120x32xf32, #tpu.memory_space<vmem>>, vector<5120x32xf32>,
    return
  }
}

module attributes {stable_mosaic.version = 14 : i64} {
  func.func @body(%arg0: memref<1280x128xf32, #tpu.memory_space<vmem>>, %arg1: memref<2x1280x128xf32, #tpu.memory_space<vmem>>, %arg2: memref<1x128xf32, #tpu.memory_space<vmem>>, %arg3: memref<1250x128xf32, #tpu.memory_space<vmem>>) attributes {dimension_semantics = [], scalar_prefetch = 0 : i64, scratch_operands = 0 : i64, tpu.core_type = #tpu.core_type<tc>} {
    %get3A = arith.constant 0 : index
    %get3A_0 = arith.constant 0 : index
    %get3A_1 = vector.load %arg0[%get3A, %get3A_0] : memref<1280x128xf32, #tpu.memory_space<vmem>>, vector<1250x128xf32>
    %get3A_2 = arith.constant 0 : index
    %get3A_3 = arith.constant 0 : index
    %get3A_4 = arith.constant 0 : index
    %get3A_5 = vector.load %arg1[%get3A_2, %get3A_3, %get3A_4] : memref<2x1280x128xf32, #tpu.memory_space<vmem>>, vector<1x1250x128xf32>
    %get3A_6 = vector.shape_cast %get3A_5 : vector<1x1250x128xf32> to vector<1250x128xf32>
    %add3A = arith.addf %get3A_1, %get3A_6 : vector<1250x128xf32>
    %get3A_7 = arith.constant 1 : index
    %get3A_8 = arith.constant 0 : index
    %get3A_9 = arith.constant 0 : index
    %get3A_10 = vector.load %arg1[%get3A_7, %get3A_8, %get3A_9] : memref<2x1280x128xf32, #tpu.memory_space<vmem>>, vector<1x1250x128xf32>
    %get3A_11 = vector.shape_cast %get3A_10 : vector<1x1250x128xf32> to vector<1250x128xf32>
    %add3A_12 = arith.addf %add3A, %get3A_11 : vector<1250x128xf32>
    %get3A_13 = arith.constant 0 : index
    %get3A_14 = arith.constant 0 : index
    %get3A_15 = vector.load %arg2[%get3A_13, %get3A_14] : memref<1x128xf32, #tpu.memory_space<vmem>>, vector<1x128xf32>
    %add3A_16 = vector.broadcast %get3A_15 : vector<1x128xf32> to vector<1250x128xf32>
    %add3A_17 = arith.addf %add3A_12, %add3A_16 : vector<1250x128xf32>
    %swap3A = arith.constant 0 : index
    %swap3A_18 = arith.constant 0 : index
    %swap3A_19 = vector.load %arg3[%swap3A, %swap3A_18] : memref<1250x128xf32, #tpu.memory_space<vmem>>, vector<1250x128xf32>
    tpu.vector_store %arg3[%swap3A, %swap3A_18], %add3A_17 {strides = array<i32>} : memref<1250x128xf32, #tpu.memory_space<vmem>>, vector<1250x128xf32>,
    return
  }
}

</mosaic_0001>

<sc_bundles>
// kernel: kernel.10.cloned.1.call-start
scs
__scs_entry_jumppad:
0x0: {  	(pc) =	sbr.rel $0x88, $3  }
0x1: {  	(tag) =	ssettag $0x0;
	lr =	simm.s32 $0x1  }
0x2: {  	[smem:$0x3F9B] =	sst lr;
	_ =	strace $0xD0000000  }
0x3: {  	_ = 	snop  }
0x4: {  	_ = 	snop  }
0x5: {  	_ = 	snop  }
0x6: {  	_ = 	snop  }
0x7: {  	_ = 	snop  }
__scs_overlays_trampoline_lowered:
0x8: {  	[smem:$0x3FAA] =	sst s0  }
0x9: {  	[smem:$0x3FAB] =	sst s1  }
0xa: {  	[smem:$0x3FAC] =	sst s2  }
0xb: {  	[smem:$0x3FAD] =	sst s3  }
0xc: {  	[smem:$0x3FAE] =	sst s4  }
0xd: {  	[smem:$0x3FAF] =	sst s5  }
0xe: {  	[smem:$0x3FB0] =	sst s6  }
0xf: {  	[smem:$0x3FB1] =	sst s7  }
0x10: {  	[smem:$0x3FB2] =	sst s8  }
0x11: {  	[smem:$0x3FB3] =	sst s9;
	s0 =	simm.s32 @!p0 $0x0  }
0x12: {  	s1 =	sld [smem:$0x3F99];
	s0 =	simm.s32 @p0 $0x1  }
0x13: {  	[smem:$0x3FB4] =	sst s0;
	s0 =	simm.s32 @!p1 $0x0  }
0x14: {  	s2 =	sld [smem:$0x3F98];
	s0 =	simm.s32 @p1 $0x1  }
0x15: {  	[smem:$0x3FB5] =	sst s0;
	s0 =	simm.s32 @!p2 $0x0  }
0x16: {  	s3 =	sld [smem:$0x3FDB];
	s0 =	simm.s32 @p2 $0x1  }
0x17: {  	s4 =	simm.s32 $0x1BF5;
	[smem:$0x3FB7] =	sst s0  }
0x18: {  	s0 =	sld [smem:$0x3F9A];
	_ =	swait.ge [sflag:s4], $0x0  }
0x19: {  	s7 =	sld [smem:$0x3F9B]  }
0x1a: {  	s8 =	sadd.s32 $0xFFFFE003, lr  }
0x1b: {  	s9 =	sadd.s32 $0xFFFFFEF7, lr;
	s5 =	simm.s32 $0xFFFFFFFF;
	p2 =	slt.u32 s8, $0xFFFFF086  }
0x1c: {  	p1 =	slt.u32 s9, $0xF7A;
	s5 =	simm.s32 @!p2 $0x0  }
0x1d: {  	s5 =	simm.s32 @p1 $0x1;
	p0 =	seq.s32 s7, s2  }
0x1e: {  	s7 =	smul.u32 @!p0 $0xF7A, s2;
	p2 =	seq.s32 @!p0 s5, $0x0  }
0x1f: {  	s9 =	smul.u32 $0xF7A, s1;
	s8 =	simm.s32 @!p0 $0x1BF5;
	p2 =	por !p2, p0  }
0x20: {  	[sflag:s8] =	ssyncset.s32 @!p0 $0xFFFFF086;
	s6 =	sadd.s32 @!p0 s3, s7;
	s7 =	simm.s32 @!p0 $0x108  }
0x21: {  	s3 =	sadd.s32 s3, s9;
	s6 =	sadd.s32 @!p0 $0x88, s6;
	s7 =	simm.s32 @p2 $0x1082  }
0x22: {  	[simem:s7], [sflag:s8] =	dma.local @!p0 [hbm:s6], $0xF7A  }
0x23: {  	s9 =	sor.u32 $0xD0000000, s2;
	s6 =	simm.s32 $0x108;
	_ =	swait.ge @!p0 [sflag:s8], $0x0  }
0x24: {  	s3 =	sadd.s32 $0x88, s3;
	s6 =	simm.s32 @!p1 $0x1082;
	[sflag:s4] =	ssyncset.s32 $0xFFFFF086  }
0x25: {  	[simem:s6], [sflag:s4] =	dma.local [hbm:s3], $0xF7A  }
0x26: {  	[smem:$0x3F9B] =	sst s1;
	(tag) =	ssettag s2;
	_ =	strace s9  }
0x27: {  	s1 =	sld [smem:$0x3FAB]  }
0x28: {  	s2 =	sld [smem:$0x3FAC]  }
0x29: {  	s4 =	sld [smem:$0x3FAE]  }
0x2a: {  	p0 =	seq.s32 s5, $0x0;
	s5 =	sld [smem:$0x3FAF]  }
0x2b: {  	s6 =	sld [smem:$0x3FB0]  }
0x2c: {  	s7 =	sld [smem:$0x3FB1]  }
0x2d: {  	s3 =	simm.s32 $0x108;
	s8 =	sld [smem:$0x3FB2]  }
0x2e: {  	s3 =	simm.s32 @!p0 $0x1082;
	s9 =	sld [smem:$0x3FB3]  }
0x2f: {  	lr =	sadd.s32 s0, s3;
	s0 =	sld [smem:$0x3FAA]  }
0x30: {  	s3 =	sld [smem:$0x3FAD]  }
0x31: {  	[smem:$0x3FB6] =	sst s10  }
0x32: {  	s10 =	sld [smem:$0x3FB4];
	_ =	sdelay $0x3  }
0x33: {  	p0 =	seq.s32 s10, $0x1;
	s10 =	sld [smem:$0x3FB6];
	_ =	sdelay $0x3  }
0x34: {  	[smem:$0x3FB6] =	sst s10  }
0x35: {  	s10 =	sld [smem:$0x3FB5];
	_ =	sdelay $0x3  }
0x36: {  	p1 =	seq.s32 s10, $0x1;
	s10 =	sld [smem:$0x3FB6];
	_ =	sdelay $0x3  }
0x37: {  	[smem:$0x3FB6] =	sst s10  }
0x38: {  	s10 =	sld [smem:$0x3FB7]  }
0x39: {  	_ = 	snop;
	(pc) =	sbr.ind lr, $3  }
0x3a: {  	_ = 	snop  }
0x3b: {  	_ = 	snop  }
0x3c: {  	p2 =	seq.s32 s10, $0x1;
	s10 =	sld [smem:$0x3FB6]  }
0x3d: {  	_ =	shalt  }
0x3e: {  	_ =	shalt  }
0x3f: {  	_ =	shalt  }
0x40: {  	_ =	shalt  }
0x41: {  	_ =	shalt  }
0x42: {  	_ =	shalt  }
0x43: {  	_ =	shalt  }
0x44: {  	_ =	shalt  }
0x45: {  	_ =	shalt  }
0x46: {  	_ =	shalt  }
0x47: {  	_ =	shalt  }
0x48: {  	_ =	shalt  }
0x49: {  	_ =	shalt  }
0x4a: {  	_ =	shalt  }
0x4b: {  	_ =	shalt  }
0x4c: {  	_ =	shalt  }
0x4d: {  	_ =	shalt  }
0x4e: {  	_ =	shalt  }
0x4f: {  	_ =	shalt  }
0x50: {  	_ =	shalt  }
0x51: {  	_ =	shalt  }
0x52: {  	_ =	shalt  }
0x53: {  	_ =	shalt  }
0x54: {  	_ =	shalt  }
0x55: {  	_ =	shalt  }
0x56: {  	_ =	shalt  }
0x57: {  	_ =	shalt  }
0x58: {  	_ =	shalt  }
0x59: {  	_ =	shalt  }
0x5a: {  	_ =	shalt  }
0x5b: {  	_ =	shalt  }
0x5c: {  	_ =	shalt  }
0x5d: {  	_ =	shalt  }
0x5e: {  	_ =	shalt  }
0x5f: {  	_ =	shalt  }
0x60: {  	_ =	shalt  }
0x61: {  	_ =	shalt  }
0x62: {  	_ =	shalt  }
0x63: {  	_ =	shalt  }
0x64: {  	_ =	shalt  }
0x65: {  	_ =	shalt  }
0x66: {  	_ =	shalt  }
0x67: {  	_ =	shalt  }
0x68: {  	_ =	shalt  }
0x69: {  	_ =	shalt  }
0x6a: {  	_ =	shalt  }
0x6b: {  	_ =	shalt  }
0x6c: {  	_ =	shalt  }
0x6d: {  	_ =	shalt  }
0x6e: {  	_ =	shalt  }
0x6f: {  	_ =	shalt  }
0x70: {  	_ =	shalt  }
0x71: {  	_ =	shalt  }
0x72: {  	_ =	shalt  }
0x73: {  	_ =	shalt  }
0x74: {  	_ =	shalt  }
0x75: {  	_ =	shalt  }
0x76: {  	_ =	shalt  }
0x77: {  	_ =	shalt  }
0x78: {  	_ =	shalt  }
0x79: {  	_ =	shalt  }
0x7a: {  	_ =	shalt  }
0x7b: {  	_ =	shalt  }
0x7c: {  	_ =	shalt  }
0x7d: {  	_ =	shalt  }
0x7e: {  	_ =	shalt  }
0x7f: {  	_ =	shalt  }
0x80: {  	_ =	shalt  }
0x81: {  	_ =	shalt  }
0x82: {  	_ =	shalt  }
0x83: {  	_ =	shalt  }
0x84: {  	_ =	shalt  }
0x85: {  	_ =	shalt  }
0x86: {  	_ =	shalt  }
0x87: {  	_ =	shalt  }
.Lfunc_end0:
.L_simem_size_0:
called_computation.1_lowered:
.L_overlay_start_0:
0x88: {  	s2 =	sld [smem:$0x3FD9]  }
0x89: {  	s3 =	sld [smem:$0x3FFE];
	_ =	sdelay $0x1  }
0x8a: {  	s1 =	srdreg.scid  }
0x8b: {  	s0 =	sand.u32 $0x1, s1  }
0x8c: {  	s16 =	sshll.u32 s0, $0xA;
	s2 =	sadd.s32 s3, s2  }
0x8d: {  	s2 =	sadd.s32 s2, s16  }
0x8e: {  	[smem:$0x3FC2] =	sst s2  }
0x8f: {  	_ = 	snop  }
0x90: {  	(tm) =	ssettm $0x1  }
0x91: {  	s17 =	sld [smem:$0x3FFB];
	_ =	sdelay $0x3  }
0x92: {  	_ =	strace s17  }
0x93: {  	s2 =	sld [smem:$0x3FFC];
	_ =	sdelay $0x3  }
0x94: {  	_ =	strace s2  }
0x95: {  	s2 =	sld [smem:$0x3FFD];
	_ =	sdelay $0x3  }
0x96: {  	_ =	strace s2  }
0x97: {  	_ =	strace $0x8FFFFFFF  }
0x98: {  	s18 =	sld [smem:$0x3FDB];
	_ =	sdelay $0x1  }
0x99: {  	s19 =	simm.s32 $_scs_section_size  }
0x9a: {  	s4 =	simm.s32 $_size__tile_overlayer_lowered;
	s5 =	simm.s32 $_tile_overlayer_lowered  }
0x9b: {  	s22 =	simm.s32 $0x1BFF;
	s21 =	sshll.u32 s5, $0x1;
	s2 =	sadd.s32 s19, s18  }
0x9c: {  	s6 =	simm.s32 $0x0;
	s20 =	sshll.u32 s4, $0x1;
	s4 =	sadd.s32 s21, s2  }
0x9d: {  	[timem:s6], [sflag:s22] =	dma.local [hbm:s4], s20  }
0x9e: {  	_ =	swait.ge [sflag:s22], s20  }
0x9f: {  	s3 =	ssub.s32 $0x0, s20;
	[sflag:s22] =	ssyncset.done $0x0  }
0xa0: {  	[sflag:s22] =	ssyncadd.s32 s3;
	_ =	sdelay $0x1  }
0xa1: {  	s23 =	simm.s32 $0x1B8B  }
0xa2: {  	_ =	swait.ge [sflag:s23], $0x1  }
0xa3: {  	[sflag:s23] =	ssyncset.done $0x0  }
0xa4: {  	s25 =	simm.s32 $0x1B8E;
	s24 =	sld [smem:$0x3FFE];
	[sflag:s23] =	ssyncadd.s32 $0xFFFFFFFF  }
0xa5: {  	s26 =	simm.s32 $execute0_lowered;
	[smem:$0x3FD2] =	sst s25  }
0xa6: {  	s4 =	sshll.u32 s26, $0x1;
	_ =	strace $0x80000049;
	[dreg:$0x1] =	wrdreg $0xFFFFFFFF  }
0xa7: {  	s28 =	simm.s32 $_size_execute0_lowered;
	s2 =	sadd.s32 s2, s4;
	[dreg:$0x0] =	wrdreg $0x0  }
0xa8: {  	s4 =	sshll.u32 s28, $0x1;
	[dreg:$0x2] =	wrdreg s2  }
0xa9: {  	[dreg:$0x3] =	wrdreg s4  }
0xaa: {  	[dreg:$0x4] =	wrdreg $0xC0  }
0xab: {  	_ =	task [dreg:s6], $0x5FFFF  }
0xac: {  	[dreg:$0x1] =	wrdreg $0xFFFFFFFF  }
0xad: {  	[dreg:$0x0] =	wrdreg $0x60  }
0xae: {  	[dreg:$0x2] =	wrdreg s24  }
0xaf: {  	[dreg:$0x3] =	wrdreg $0x80000  }
0xb0: {  	[dreg:$0x4] =	wrdreg $0xA8000  }
0xb1: {  	[dreg:$0x5] =	wrdreg $0x9  }
0xb2: {  	_ =	task.clear_ibuf [dreg:s6], $0x6FFFF;
	_ =	strace $0x90000049  }
0xb3: {  	s29 =	simm.s32 $0x9;
	_ =	strace $0x8000004B  }
0xb4: {  	_ =	swait.ge [sflag:s29], $0x1  }
0xb5: {  	[sflag:s29] =	ssyncadd.s32 $0xFFFFFFFF  }
0xb6: {  	_ =	strace $0x9000004B  }
0xb7: {  	_ =	sfence  }
0xb8: {  	s30 =	sld [smem:$0x0];
	_ =	sdelay $0x2  }
0xb9: {  	s31 =	sshll.u32 s1, $0xD;
	s1 =	sshrl.u32 s1, $0x2  }
0xba: {  	s3 =	sand.u32 $0x4000, s31;
	s1 =	sadd.s32 s1, s30  }
0xbb: {  	s0 =	sor.u32 s3, s0;
	s1 =	sshll.u32 s1, $0x11  }
0xbc: {  	s0 =	sor.u32 s1, s0  }
0xbd: {  	s0 =	sadd.s32 $0x8F2B, s0  }
0xbe: {  	[sflag:s0] =	ssyncadd.remote.s32 $0x1  }
0xbf: {  	_ =	sfence.sel $0xFFFF  }
0xc0: {  	[dreg:$0x0] =	wrdreg $0xFFFFFFFF;
	(pc) =	sbr.abs _section_cstart, $3  }
0xc1: {  	[dreg:$0x1] =	wrdreg $0xFFFFFFFF  }
0xc2: {  	_ =	task.clear_ibuf [dreg:s6], $0x2FFFF;
	_ =	strace $0x9FFFFFFF  }
0xc3: {  	(tm) =	ssettm $0x7FFFFFFF  }
tec
execute0_lowered:
.L_overlay_start_1:
0x0: {  	(tag) =	ssettag $0x1  }
0x1: {  	s0 =	rddreg [dreg:$0x0]  }
0x2: {  	s1 =	rddreg [dreg:$0x1]  }
0x3: {  	s2 =	srdreg.scid;
	s3 =	rddreg [dreg:$0x2]  }
0x4: {  	s11 =	stileid.u32;
	s4 =	simm.s32 $0x0;
	s15 =	simm.s32 $0x7800  }
0x5: {  	s16 =	simm.s32 $0xB;
	s20 =	simm.s32 $0x80;
	s21 =	simm.s32 $0x5000  }
0x6: {  	s28 =	simm.s32 $0x6800;
	s29 =	simm.s32 $0x1;
	s31 =	simm.s32 $0x7000  }
0x7: {  	s30 =	simm.s32 $0x3;
	s2 =	sand.u32 $0x1, s2;
	s6 =	smul.u32 $0x2800, s11  }
0x8: {  	[smem:$0x7FF] =	sst s4;
	s9 =	smul.u32 $0xA000, s11;
	s5 =	sshll.u32 s2, $0x4  }
0x9: {  	_ =	strace $0x8000004A;
	s8 =	smul.u32 $0x28000, s2;
	s2 =	ssub.s32 $0x2, s2  }
0xa: {  	s5 =	sor.u32 s11, s5;
	s7 =	sshrl.u32 s6, $0x3;
	s26 =	sshrl.u32 s2, $0x1  }
0xb: {  	s9 =	sshrl.u32 s9, $0x2;
	s14 =	sadd.s32 s6, s3;
	s17 =	sadd.s32 s6, s1  }
0xc: {  	s5 =	smul.u32 $0x2800, s5;
	s7 =	sadd.s32 s7, s0;
	s25 =	sadd.s32 s6, s8  }
0xd: {  	s2 =	ssub.s32 s2, s26;
	s26 =	sshll.u32 s11, $0x6;
	s19 =	sshrl.u32 s14, $0x3  }
0xe: {  	s6 =	simm.s32 $0x8;
	s8 =	simm.s32 $0x9;
	s7 =	sadd.s32 $0x15600, s7  }
0xf: {  	s2 =	smax.u32 s2, $0x1;
	s18 =	sor.u32 $0x1C0B, s26;
	s5 =	sshrl.u32 s5, $0x3  }
0x10: {  	s26 =	simm.s32 $0x4;
	[dreg:$0x6] =	wrdreg s7;
	s10 =	sadd.s32 s5, s0  }
0x11: {  	[dreg:$0x8] =	wrdreg s2;
	s5 =	sshrl.u32 s25, $0x3;
	s12 =	sadd.s32 $0x1600, s10  }
0x12: {  	s0 =	sadd.s32 s5, s0;
	s13 =	sadd.s32 $0xB600, s10;
	[dreg:$0x4] =	wrdreg s12  }
0x13: {  	s5 =	sadd.s32 s9, s1;
	[dreg:$0x5] =	wrdreg s13;
	s0 =	sadd.s32 $0x1A600, s0  }
0x14: {  	s2 =	simm.s32 $0x6;
	s22 =	sadd.s32 $0x800, s5;
	[dreg:$0x7] =	wrdreg s0  }
.Ltmp0:
0x15: {  	s23 =	sadd.s32 $0x1000, s5;
	[dreg:$0x9] =	wrdreg s22;
	(pc) =	sbr.rel .LBB2_1-.Ltmp0, $4  }
0x16: {  	s7 =	simm.s32 $0x5;
	s24 =	sadd.s32 $0x1800, s5;
	[dreg:$0xa] =	wrdreg s23  }
0x17: {  	s9 =	simm.s32 $0xA;
	s25 =	sadd.s32 $0x2000, s5;
	[dreg:$0xb] =	wrdreg s24  }
0x18: {  	[dreg:$0xc] =	wrdreg s25;
	s22 =	simm.s32 $0x5800;
	s24 =	simm.s32 $0x6000  }
0x19: {  	v0 =	vimm.f32 $0.0e+00;
	s25 =	sshrl.u32 s17, $0x3;
	s0 =	simm.s32 $0x2;
	s23 =	simm.s32 $0x7  }
.LBB2_6:
0x1a: {  	[spmem:s1] =	stream.indirect.scatter.add.f32 [tilespmem:s28], [sflag:$0x9], $0x10, s12, s20, $0xb8;
	[tilespmem:$0xD000] =	vst v63  }
0x1b: {  	_ =	swait.ge [sflag:s7], $0x800  }
0x1c: {  	[sflag:s7] =	ssyncset.done $0x0  }
0x1d: {  	[sflag:s7] =	ssyncadd.s32 $0xFFFFF800  }
0x1e: {  	_ =	swait.ge [sflag:s8], $0x800  }
0x1f: {  	[sflag:s8] =	ssyncset.done $0x0  }
0x20: {  	s10 =	sadd.s32 $0x2C80, s11;
	[sflag:s8] =	ssyncadd.s32 $0xFFFFF800  }
0x21: {  	[spmem:s1] =	stream.indirect.scatter.add.f32 [tilespmem:s31], [sflag:$0xA], $0x10, s10, s20, $0xb8;
	[tilespmem:$0xD000] =	vst v63  }
0x22: {  	_ =	swait.ge [sflag:s9], $0x800  }
0x23: {  	[sflag:s9] =	ssyncset.done $0x0  }
0x24: {  	[sflag:s9] =	ssyncadd.s32 $0xFFFFF800  }
0x25: {  	[bflag:$0x0] =	sbarrier.arrive $0xFFFF  }
0x26: {  	s14 =	rddreg [dreg:$0x7]  }
0x27: {  	[hbm:s14], [sflag:s18] =	dma.local [spmem:s25], $0x500  }
0x28: {  	_ =	swait.ge [sflag:s16], $0x500  }
0x29: {  	s4 =	sadd.s32 $0x1, s4;
	s17 =	rddreg [dreg:$0x8]  }
0x2a: {  	p0 =	sne.s32 s4, s17  }
.Ltmp1:
0x2b: {  	_ = 	snop;
	(pc) =	sbr.rel @!p0 .LBB2_7-.Ltmp1, $3  }
0x2c: {  	_ =	sdelay $0x1  }
0x2d: {  	[sflag:s16] =	ssyncset.done $0x0  }
0x2e: {  	[sflag:s16] =	ssyncadd.s32 $0xFFFFFB00  }
.LBB2_1:
0x2f: {  	s10 =	simm.s32 $0x40;
	s11 =	simm.s32 $0x0  }
.LBB2_2:
0x30: {  	p0 =	sne.s32 s10, $0x1FC0;
	[tilespmem:s11+$0x7800] =	vst v0;
	s11 =	smov.u32 s10;
	s10 =	sadd.s32 $0x40, s10  }
.Ltmp2:
0x31: {  	(pc) =	sbr.rel @p0 .LBB2_2-.Ltmp2, $2  }
0x32: {  	_ =	sdelay $0x2  }
0x33: {  	s11 =	sshra.s32 s11, $0x2  }
0x34: {  	[tilespmem:s11+$0x7800] =	vst v0  }
0x35: {  	[spmem:s5] =	stream.linear.scatter [tilespmem:s15], [sflag:$0xB], $0x800, $0x38;
	[tilespmem:$0xD000] =	vst v63  }
0x36: {  	_ =	swait.ge [sflag:s16], $0x800  }
0x37: {  	[sflag:s16] =	ssyncset.done $0x0  }
0x38: {  	s10 =	rddreg [dreg:$0x9];
	[sflag:s16] =	ssyncadd.s32 $0xFFFFF800  }
0x39: {  	[spmem:s10] =	stream.linear.scatter [tilespmem:s15], [sflag:$0xB], $0x800, $0x38;
	[tilespmem:$0xD000] =	vst v63  }
0x3a: {  	_ =	swait.ge [sflag:s16], $0x800  }
0x3b: {  	[sflag:s16] =	ssyncset.done $0x0  }
0x3c: {  	s17 =	rddreg [dreg:$0xa];
	[sflag:s16] =	ssyncadd.s32 $0xFFFFF800  }
0x3d: {  	[spmem:s17] =	stream.linear.scatter [tilespmem:s15], [sflag:$0xB], $0x800, $0x38;
	[tilespmem:$0xD000] =	vst v63  }
0x3e: {  	_ =	swait.ge [sflag:s16], $0x800  }
0x3f: {  	[sflag:s16] =	ssyncset.done $0x0  }
0x40: {  	s11 =	rddreg [dreg:$0xb];
	[sflag:s16] =	ssyncadd.s32 $0xFFFFF800  }
0x41: {  	[spmem:s11] =	stream.linear.scatter [tilespmem:s15], [sflag:$0xB], $0x800, $0x38;
	[tilespmem:$0xD000] =	vst v63  }
0x42: {  	_ =	swait.ge [sflag:s16], $0x800  }
0x43: {  	[sflag:s16] =	ssyncset.done $0x0  }
0x44: {  	s12 =	rddreg [dreg:$0xc];
	[sflag:s16] =	ssyncadd.s32 $0xFFFFF800  }
0x45: {  	[spmem:s12] =	stream.linear.scatter [tilespmem:s15], [sflag:$0xB], $0x800, $0x38;
	[tilespmem:$0xD000] =	vst v63  }
0x46: {  	_ =	swait.ge [sflag:s16], $0x800  }
0x47: {  	[sflag:s16] =	ssyncset.done $0x0  }
0x48: {  	s10 =	simm.s32 $0x0;
	s13 =	rddreg [dreg:$0x4];
	[sflag:s16] =	ssyncadd.s32 $0xFFFFF800  }
0x49: {  	[tilespmem:s10], [sflag:$0xB] =	stream.linear.gather [hbm4b:s13+s10], $0x2800, $0x38;
	[tilespmem:$0xD000] =	vst v63  }
0x4a: {  	_ =	swait.ge [sflag:s16], $0x2800  }
0x4b: {  	[sflag:s16] =	ssyncset.done $0x0  }
0x4c: {  	s12 =	simm.s32 $0x2800;
	s14 =	rddreg [dreg:$0x5];
	[sflag:s16] =	ssyncadd.s32 $0xFFFFD800  }
0x4d: {  	[tilespmem:s12], [sflag:$0xB] =	stream.linear.gather [hbm4b:s14+s10], $0x2800, $0x38;
	[tilespmem:$0xD000] =	vst v63  }
0x4e: {  	_ =	swait.ge [sflag:s16], $0x2800  }
0x4f: {  	[sflag:s16] =	ssyncset.done $0x0  }
0x50: {  	s17 =	rddreg [dreg:$0x6];
	[sflag:s16] =	ssyncadd.s32 $0xFFFFD800  }
0x51: {  	[spmem:s19], [sflag:s18] =	dma.local [hbm:s17], $0x500  }
0x52: {  	_ =	swait.ge [sflag:s16], $0x500  }
0x53: {  	[sflag:s16] =	ssyncset.done $0x0  }
0x54: {  	[sflag:s16] =	ssyncadd.s32 $0xFFFFFB00  }
0x55: {  	[bflag:$0x0] =	sbarrier.arrive $0xFFFF  }
0x56: {  	[tilespmem:s21], [sflag:$0x1] =	stream.indirect.gather [spmem:s3], $0x10, s10, s20, $0xb8;
	[tilespmem:$0xD000] =	vst v63  }
0x57: {  	_ = 	snop  }
0x58: {  	[tilespmem:s22], [sflag:$0x2] =	stream.indirect.gather [spmem:s3], $0x10, s20, s20, $0xb8;
	[tilespmem:$0xD000] =	vst v63  }
0x59: {  	s13 =	simm.s32 $0x100  }
0x5a: {  	[tilespmem:s24], [sflag:$0x3] =	stream.indirect.gather [spmem:s3], $0x10, s13, s20, $0xb8;
	[tilespmem:$0xD000] =	vst v63  }
0x5b: {  	s14 =	simm.s32 $0x180  }
0x5c: {  	[tilespmem:s28], [sflag:$0x4] =	stream.indirect.gather [spmem:s3], $0x10, s14, s20, $0xb8;
	[tilespmem:$0xD000] =	vst v63  }
0x5d: {  	_ =	swait.ge [sflag:s29], $0x800  }
0x5e: {  	[sflag:s29] =	ssyncset.done $0x0  }
0x5f: {  	s17 =	simm.s32 $0x200;
	[sflag:s29] =	ssyncadd.s32 $0xFFFFF800  }
0x60: {  	[tilespmem:s31], [sflag:$0x5] =	stream.indirect.gather [spmem:s3], $0x10, s17, s20, $0xb8;
	[tilespmem:$0xD000] =	vst v63  }
0x61: {  	_ = 	snop  }
0x62: {  	[spmem:s1] =	stream.indirect.scatter.add.f32 [tilespmem:s21], [sflag:$0x6], $0x10, s12, s20, $0xb8;
	[tilespmem:$0xD000] =	vst v63  }
0x63: {  	_ =	swait.ge [sflag:s0], $0x800  }
0x64: {  	[sflag:s0] =	ssyncset.done $0x0  }
0x65: {  	[sflag:s0] =	ssyncadd.s32 $0xFFFFF800  }
0x66: {  	_ =	swait.ge [sflag:s2], $0x800  }
0x67: {  	[sflag:s2] =	ssyncset.done $0x0  }
0x68: {  	s12 =	simm.s32 $0x280;
	[sflag:s2] =	ssyncadd.s32 $0xFFFFF800  }
0x69: {  	[tilespmem:s21], [sflag:$0x1] =	stream.indirect.gather [spmem:s3], $0x10, s12, s20, $0xb8;
	[tilespmem:$0xD000] =	vst v63  }
0x6a: {  	s13 =	simm.s32 $0x2880  }
0x6b: {  	[spmem:s1] =	stream.indirect.scatter.add.f32 [tilespmem:s22], [sflag:$0x7], $0x10, s13, s20, $0xb8;
	[tilespmem:$0xD000] =	vst v63  }
0x6c: {  	_ =	swait.ge [sflag:s30], $0x800  }
0x6d: {  	[sflag:s30] =	ssyncset.done $0x0  }
0x6e: {  	[sflag:s30] =	ssyncadd.s32 $0xFFFFF800  }
0x6f: {  	_ =	swait.ge [sflag:s23], $0x800  }
0x70: {  	[sflag:s23] =	ssyncset.done $0x0  }
0x71: {  	s14 =	simm.s32 $0x300;
	[sflag:s23] =	ssyncadd.s32 $0xFFFFF800  }
0x72: {  	[tilespmem:s22], [sflag:$0x2] =	stream.indirect.gather [spmem:s3], $0x10, s14, s20, $0xb8;
	[tilespmem:$0xD000] =	vst v63  }
0x73: {  	s17 =	simm.s32 $0x2900  }
0x74: {  	[spmem:s1] =	stream.indirect.scatter.add.f32 [tilespmem:s24], [sflag:$0x8], $0x10, s17, s20, $0xb8;
	[tilespmem:$0xD000] =	vst v63  }
0x75: {  	_ =	swait.ge [sflag:s26], $0x800  }
0x76: {  	[sflag:s26] =	ssyncset.done $0x0  }
0x77: {  	[sflag:s26] =	ssyncadd.s32 $0xFFFFF800  }
0x78: {  	_ =	swait.ge [sflag:s6], $0x800  }
0x79: {  	[sflag:s6] =	ssyncset.done $0x0  }
0x7a: {  	s12 =	simm.s32 $0x380;
	[sflag:s6] =	ssyncadd.s32 $0xFFFFF800  }
0x7b: {  	[tilespmem:s24], [sflag:$0x3] =	stream.indirect.gather [spmem:s3], $0x10, s12, s20, $0xb8;
	[tilespmem:$0xD000] =	vst v63  }
0x7c: {  	s13 =	simm.s32 $0x2980  }
0x7d: {  	[spmem:s1] =	stream.indirect.scatter.add.f32 [tilespmem:s28], [sflag:$0x9], $0x10, s13, s20, $0xb8;
	[tilespmem:$0xD000] =	vst v63  }
0x7e: {  	_ =	swait.ge [sflag:s7], $0x800  }
0x7f: {  	[sflag:s7] =	ssyncset.done $0x0  }
0x80: {  	[sflag:s7] =	ssyncadd.s32 $0xFFFFF800  }
0x81: {  	_ =	swait.ge [sflag:s8], $0x800  }
0x82: {  	[sflag:s8] =	ssyncset.done $0x0  }
0x83: {  	s14 =	simm.s32 $0x400;
	[sflag:s8] =	ssyncadd.s32 $0xFFFFF800  }
0x84: {  	[tilespmem:s28], [sflag:$0x4] =	stream.indirect.gather [spmem:s3], $0x10, s14, s20, $0xb8;
	[tilespmem:$0xD000] =	vst v63  }
0x85: {  	s17 =	simm.s32 $0x2A00  }
0x86: {  	[spmem:s1] =	stream.indirect.scatter.add.f32 [tilespmem:s31], [sflag:$0xA], $0x10, s17, s20, $0xb8;
	[tilespmem:$0xD000] =	vst v63  }
.LBB2_4:
0x87: {  	_ =	swait.ge [sflag:s29], $0x800  }
0x88: {  	[sflag:s29] =	ssyncset.done $0x0  }
0x89: {  	[sflag:s29] =	ssyncadd.s32 $0xFFFFF800  }
0x8a: {  	_ =	swait.ge [sflag:s9], $0x800  }
0x8b: {  	s11 =	sshra.s32 s10, $0x2;
	[sflag:s9] =	ssyncset.done $0x0  }
0x8c: {  	s12 =	sadd.s32 $0x480, s11;
	[sflag:s9] =	ssyncadd.s32 $0xFFFFF800  }
0x8d: {  	[tilespmem:s31], [sflag:$0x5] =	stream.indirect.gather [spmem:s3], $0x10, s12, s20, $0xb8;
	[tilespmem:$0xD000] =	vst v63  }
0x8e: {  	s14 =	sadd.s32 $0x2A80, s11  }
0x8f: {  	[spmem:s1] =	stream.indirect.scatter.add.f32 [tilespmem:s21], [sflag:$0x6], $0x10, s14, s20, $0xb8;
	[tilespmem:$0xD000] =	vst v63  }
0x90: {  	_ =	swait.ge [sflag:s0], $0x800  }
0x91: {  	[sflag:s0] =	ssyncset.done $0x0  }
0x92: {  	[sflag:s0] =	ssyncadd.s32 $0xFFFFF800  }
0x93: {  	p0 =	seq.s32 s10, $0x8C00;
	_ =	swait.ge [sflag:s2], $0x800  }
0x94: {  	s13 =	simm.s32 @p0 $0x80;
	s12 =	sshra.s32 @p0 s10, $0x2;
	[sflag:s2] =	ssyncset.done $0x0  }
0x95: {  	s17 =	simm.s32 @p0 $0x5800;
	s12 =	sadd.s32 @p0 $0x2B00, s12;
	[sflag:s2] =	ssyncadd.s32 $0xFFFFF800  }
0x96: {  	[spmem:s1] =	stream.indirect.scatter.add.f32 @p0 [tilespmem:s17], [sflag:$0x7], $0x10, s12, s13, $0xb8;
	[tilespmem:$0xD000] =	vst v63  }
0x97: {  	s12 =	simm.s32 @p0 $0x3  }
0x98: {  	_ =	swait.ge @p0 [sflag:s12], $0x800  }
0x99: {  	[sflag:s12] =	ssyncset.done @p0 $0x0  }
0x9a: {  	[sflag:s12] =	ssyncadd.s32 @p0 $0xFFFFF800;
	s12 =	simm.s32 @p0 $0x7  }
0x9b: {  	_ =	swait.ge @p0 [sflag:s12], $0x800  }
0x9c: {  	[sflag:s12] =	ssyncset.done @p0 $0x0  }
0x9d: {  	[sflag:s12] =	ssyncadd.s32 @p0 $0xFFFFF800;
	s12 =	sshra.s32 @!p0 s10, $0x2  }
0x9e: {  	s14 =	simm.s32 @!p0 $0x5000;
	s17 =	simm.s32 @!p0 $0x80;
	s13 =	sadd.s32 @!p0 $0x500, s12  }
0x9f: {  	[tilespmem:s14], [sflag:$0x1] =	stream.indirect.gather @!p0 [spmem:s3], $0x10, s13, s17, $0xb8;
	[tilespmem:$0xD000] =	vst v63  }
0xa0: {  	s13 =	sadd.s32 @!p0 $0x2B00, s12;
	s14 =	simm.s32 @!p0 $0x5800  }
0xa1: {  	[spmem:s1] =	stream.indirect.scatter.add.f32 @!p0 [tilespmem:s14], [sflag:$0x7], $0x10, s13, s17, $0xb8;
	[tilespmem:$0xD000] =	vst v63  }
0xa2: {  	s13 =	simm.s32 @!p0 $0x3  }
0xa3: {  	_ =	swait.ge @!p0 [sflag:s13], $0x800  }
0xa4: {  	[sflag:s13] =	ssyncset.done @!p0 $0x0  }
0xa5: {  	[sflag:s13] =	ssyncadd.s32 @!p0 $0xFFFFF800;
	s13 =	simm.s32 @!p0 $0x7  }
0xa6: {  	_ =	swait.ge @!p0 [sflag:s13], $0x800  }
0xa7: {  	[sflag:s13] =	ssyncset.done @!p0 $0x0  }
0xa8: {  	s12 =	sadd.s32 @!p0 $0x580, s12;
	[sflag:s13] =	ssyncadd.s32 @!p0 $0xFFFFF800  }
0xa9: {  	[tilespmem:s14], [sflag:$0x2] =	stream.indirect.gather @!p0 [spmem:s3], $0x10, s12, s17, $0xb8;
	[tilespmem:$0xD000] =	vst v63  }
0xaa: {  	s17 =	sadd.s32 $0x2B80, s11  }
0xab: {  	[spmem:s1] =	stream.indirect.scatter.add.f32 [tilespmem:s24], [sflag:$0x8], $0x10, s17, s20, $0xb8;
	[tilespmem:$0xD000] =	vst v63  }
0xac: {  	_ =	swait.ge [sflag:s26], $0x800  }
.Ltmp3:
0xad: {  	[sflag:s26] =	ssyncset.done $0x0;
	(pc) =	sbr.rel @p0 .LBB2_6-.Ltmp3, $4  }
0xae: {  	[sflag:s26] =	ssyncadd.s32 $0xFFFFF800  }
0xaf: {  	_ =	swait.ge [sflag:s6], $0x800  }
0xb0: {  	[sflag:s6] =	ssyncset.done $0x0  }
0xb1: {  	s12 =	sadd.s32 $0x2C00, s11;
	[sflag:s6] =	ssyncadd.s32 $0xFFFFF800  }
0xb2: {  	s13 =	sadd.s32 $0x600, s11  }
0xb3: {  	[tilespmem:s24], [sflag:$0x3] =	stream.indirect.gather [spmem:s3], $0x10, s13, s20, $0xb8;
	[tilespmem:$0xD000] =	vst v63  }
0xb4: {  	_ = 	snop  }
0xb5: {  	[spmem:s1] =	stream.indirect.scatter.add.f32 [tilespmem:s28], [sflag:$0x9], $0x10, s12, s20, $0xb8;
	[tilespmem:$0xD000] =	vst v63  }
0xb6: {  	_ =	swait.ge [sflag:s7], $0x800  }
0xb7: {  	[sflag:s7] =	ssyncset.done $0x0  }
0xb8: {  	[sflag:s7] =	ssyncadd.s32 $0xFFFFF800  }
0xb9: {  	_ =	swait.ge [sflag:s8], $0x800  }
.Ltmp4:
0xba: {  	[sflag:s8] =	ssyncset.done $0x0;
	(pc) =	sbr.rel .LBB2_4-.Ltmp4, $4  }
0xbb: {  	s14 =	sadd.s32 $0x680, s11;
	[sflag:s8] =	ssyncadd.s32 $0xFFFFF800  }
0xbc: {  	[tilespmem:s28], [sflag:$0x4] =	stream.indirect.gather [spmem:s3], $0x10, s14, s20, $0xb8;
	[tilespmem:$0xD000] =	vst v63  }
0xbd: {  	s17 =	sadd.s32 $0x2C80, s11;
	s10 =	sadd.s32 $0xA00, s10  }
0xbe: {  	[spmem:s1] =	stream.indirect.scatter.add.f32 [tilespmem:s31], [sflag:$0xA], $0x10, s17, s20, $0xb8;
	[tilespmem:$0xD000] =	vst v63  }
.LBB2_7:
0xbf: {  	_ =	sfence.sel $0x180000  }
0xc0: {  	[bflag:$0x0] =	sbarrier.arrive $0xFFFF  }
0xc1: {  	_ =	strace $0x9000004A  }
0xc2: {  	s0 =	stileid.u32;
	[bflag:$0x2] =	sbarrier.arrive $0xFFFF  }
0xc3: {  	p0 =	sne.s32 s0, $0x0;
	s0 =	rddreg [dreg:$0x3]  }
0xc4: {  	s0 =	sadd.s32 @!p0 $0x100000, s0  }
0xc5: {  	[sflag:s0] =	ssyncadd.tile.s32 @!p0 $0x1;
	_ =	shalt  }
.Lfunc_end2:
_tile_overlayer_lowered:
.L_overlay_start_2:
0xc6: {  	(tag) =	ssettag $0x2  }
0xc7: {  	s0 =	rddreg [dreg:$0x0];
	s2 =	stileid.u32  }
0xc8: {  	s1 =	rddreg [dreg:$0x1];
	p0 =	sne.s32 s2, $0x0  }
0xc9: {  	s3 =	rddreg [dreg:$0x2];
	[bflag:$0x3] =	sbarrier.arrive $0xFFFF;
	s2 =	simm.s32 @!p0 $0x1C0B  }
0xca: {  	[timem:s3], [sflag:s2] =	dma.local @!p0 [hbm:s0], s1  }
0xcb: {  	s0 =	simm.s32 @!p0 $0xB  }
0xcc: {  	_ =	swait.ge @!p0 [sflag:s0], s1  }
0xcd: {  	s1 =	ssub.s32 @!p0 $0x0, s1;
	[sflag:s0] =	ssyncset.done @!p0 $0x0  }
0xce: {  	[sflag:s0] =	ssyncadd.s32 @!p0 s1  }
0xcf: {  	[bflag:$0x3] =	sbarrier.arrive $0xFFFF  }
0xd0: {  	_ =	shalt  }

// kernel: kernel.7.cloned.1.call-start
scs
__scs_entry_jumppad:
0x0: {  	(pc) =	sbr.rel $0x88, $3  }
0x1: {  	(tag) =	ssettag $0x0;
	lr =	simm.s32 $0x1  }
0x2: {  	[smem:$0x3F9B] =	sst lr;
	_ =	strace $0xD0000000  }
0x3: {  	_ = 	snop  }
0x4: {  	_ = 	snop  }
0x5: {  	_ = 	snop  }
0x6: {  	_ = 	snop  }
0x7: {  	_ = 	snop  }
__scs_overlays_trampoline_lowered:
0x8: {  	[smem:$0x3FAA] =	sst s0  }
0x9: {  	[smem:$0x3FAB] =	sst s1  }
0xa: {  	[smem:$0x3FAC] =	sst s2  }
0xb: {  	[smem:$0x3FAD] =	sst s3  }
0xc: {  	[smem:$0x3FAE] =	sst s4  }
0xd: {  	[smem:$0x3FAF] =	sst s5  }
0xe: {  	[smem:$0x3FB0] =	sst s6  }
0xf: {  	[smem:$0x3FB1] =	sst s7  }
0x10: {  	[smem:$0x3FB2] =	sst s8  }
0x11: {  	[smem:$0x3FB3] =	sst s9;
	s0 =	simm.s32 @!p0 $0x0  }
0x12: {  	s1 =	sld [smem:$0x3F99];
	s0 =	simm.s32 @p0 $0x1  }
0x13: {  	[smem:$0x3FB4] =	sst s0;
	s0 =	simm.s32 @!p1 $0x0  }
0x14: {  	s2 =	sld [smem:$0x3F98];
	s0 =	simm.s32 @p1 $0x1  }
0x15: {  	[smem:$0x3FB5] =	sst s0;
	s0 =	simm.s32 @!p2 $0x0  }
0x16: {  	s3 =	sld [smem:$0x3FDB];
	s0 =	simm.s32 @p2 $0x1  }
0x17: {  	s4 =	simm.s32 $0x1BF5;
	[smem:$0x3FB7] =	sst s0  }
0x18: {  	s0 =	sld [smem:$0x3F9A];
	_ =	swait.ge [sflag:s4], $0x0  }
0x19: {  	s7 =	sld [smem:$0x3F9B]  }
0x1a: {  	s8 =	sadd.s32 $0xFFFFE003, lr  }
0x1b: {  	s9 =	sadd.s32 $0xFFFFFEF7, lr;
	s5 =	simm.s32 $0xFFFFFFFF;
	p2 =	slt.u32 s8, $0xFFFFF086  }
0x1c: {  	p1 =	slt.u32 s9, $0xF7A;
	s5 =	simm.s32 @!p2 $0x0  }
0x1d: {  	s5 =	simm.s32 @p1 $0x1;
	p0 =	seq.s32 s7, s2  }
0x1e: {  	s7 =	smul.u32 @!p0 $0xF7A, s2;
	p2 =	seq.s32 @!p0 s5, $0x0  }
0x1f: {  	s9 =	smul.u32 $0xF7A, s1;
	s8 =	simm.s32 @!p0 $0x1BF5;
	p2 =	por !p2, p0  }
0x20: {  	[sflag:s8] =	ssyncset.s32 @!p0 $0xFFFFF086;
	s6 =	sadd.s32 @!p0 s3, s7;
	s7 =	simm.s32 @!p0 $0x108  }
0x21: {  	s3 =	sadd.s32 s3, s9;
	s6 =	sadd.s32 @!p0 $0x88, s6;
	s7 =	simm.s32 @p2 $0x1082  }
0x22: {  	[simem:s7], [sflag:s8] =	dma.local @!p0 [hbm:s6], $0xF7A  }
0x23: {  	s9 =	sor.u32 $0xD0000000, s2;
	s6 =	simm.s32 $0x108;
	_ =	swait.ge @!p0 [sflag:s8], $0x0  }
0x24: {  	s3 =	sadd.s32 $0x88, s3;
	s6 =	simm.s32 @!p1 $0x1082;
	[sflag:s4] =	ssyncset.s32 $0xFFFFF086  }
0x25: {  	[simem:s6], [sflag:s4] =	dma.local [hbm:s3], $0xF7A  }
0x26: {  	[smem:$0x3F9B] =	sst s1;
	(tag) =	ssettag s2;
	_ =	strace s9  }
0x27: {  	s1 =	sld [smem:$0x3FAB]  }
0x28: {  	s2 =	sld [smem:$0x3FAC]  }
0x29: {  	s4 =	sld [smem:$0x3FAE]  }
0x2a: {  	p0 =	seq.s32 s5, $0x0;
	s5 =	sld [smem:$0x3FAF]  }
0x2b: {  	s6 =	sld [smem:$0x3FB0]  }
0x2c: {  	s7 =	sld [smem:$0x3FB1]  }
0x2d: {  	s3 =	simm.s32 $0x108;
	s8 =	sld [smem:$0x3FB2]  }
0x2e: {  	s3 =	simm.s32 @!p0 $0x1082;
	s9 =	sld [smem:$0x3FB3]  }
0x2f: {  	lr =	sadd.s32 s0, s3;
	s0 =	sld [smem:$0x3FAA]  }
0x30: {  	s3 =	sld [smem:$0x3FAD]  }
0x31: {  	[smem:$0x3FB6] =	sst s10  }
0x32: {  	s10 =	sld [smem:$0x3FB4];
	_ =	sdelay $0x3  }
0x33: {  	p0 =	seq.s32 s10, $0x1;
	s10 =	sld [smem:$0x3FB6];
	_ =	sdelay $0x3  }
0x34: {  	[smem:$0x3FB6] =	sst s10  }
0x35: {  	s10 =	sld [smem:$0x3FB5];
	_ =	sdelay $0x3  }
0x36: {  	p1 =	seq.s32 s10, $0x1;
	s10 =	sld [smem:$0x3FB6];
	_ =	sdelay $0x3  }
0x37: {  	[smem:$0x3FB6] =	sst s10  }
0x38: {  	s10 =	sld [smem:$0x3FB7]  }
0x39: {  	_ = 	snop;
	(pc) =	sbr.ind lr, $3  }
0x3a: {  	_ = 	snop  }
0x3b: {  	_ = 	snop  }
0x3c: {  	p2 =	seq.s32 s10, $0x1;
	s10 =	sld [smem:$0x3FB6]  }
0x3d: {  	_ =	shalt  }
0x3e: {  	_ =	shalt  }
0x3f: {  	_ =	shalt  }
0x40: {  	_ =	shalt  }
0x41: {  	_ =	shalt  }
0x42: {  	_ =	shalt  }
0x43: {  	_ =	shalt  }
0x44: {  	_ =	shalt  }
0x45: {  	_ =	shalt  }
0x46: {  	_ =	shalt  }
0x47: {  	_ =	shalt  }
0x48: {  	_ =	shalt  }
0x49: {  	_ =	shalt  }
0x4a: {  	_ =	shalt  }
0x4b: {  	_ =	shalt  }
0x4c: {  	_ =	shalt  }
0x4d: {  	_ =	shalt  }
0x4e: {  	_ =	shalt  }
0x4f: {  	_ =	shalt  }
0x50: {  	_ =	shalt  }
0x51: {  	_ =	shalt  }
0x52: {  	_ =	shalt  }
0x53: {  	_ =	shalt  }
0x54: {  	_ =	shalt  }
0x55: {  	_ =	shalt  }
0x56: {  	_ =	shalt  }
0x57: {  	_ =	shalt  }
0x58: {  	_ =	shalt  }
0x59: {  	_ =	shalt  }
0x5a: {  	_ =	shalt  }
0x5b: {  	_ =	shalt  }
0x5c: {  	_ =	shalt  }
0x5d: {  	_ =	shalt  }
0x5e: {  	_ =	shalt  }
0x5f: {  	_ =	shalt  }
0x60: {  	_ =	shalt  }
0x61: {  	_ =	shalt  }
0x62: {  	_ =	shalt  }
0x63: {  	_ =	shalt  }
0x64: {  	_ =	shalt  }
0x65: {  	_ =	shalt  }
0x66: {  	_ =	shalt  }
0x67: {  	_ =	shalt  }
0x68: {  	_ =	shalt  }
0x69: {  	_ =	shalt  }
0x6a: {  	_ =	shalt  }
0x6b: {  	_ =	shalt  }
0x6c: {  	_ =	shalt  }
0x6d: {  	_ =	shalt  }
0x6e: {  	_ =	shalt  }
0x6f: {  	_ =	shalt  }
0x70: {  	_ =	shalt  }
0x71: {  	_ =	shalt  }
0x72: {  	_ =	shalt  }
0x73: {  	_ =	shalt  }
0x74: {  	_ =	shalt  }
0x75: {  	_ =	shalt  }
0x76: {  	_ =	shalt  }
0x77: {  	_ =	shalt  }
0x78: {  	_ =	shalt  }
0x79: {  	_ =	shalt  }
0x7a: {  	_ =	shalt  }
0x7b: {  	_ =	shalt  }
0x7c: {  	_ =	shalt  }
0x7d: {  	_ =	shalt  }
0x7e: {  	_ =	shalt  }
0x7f: {  	_ =	shalt  }
0x80: {  	_ =	shalt  }
0x81: {  	_ =	shalt  }
0x82: {  	_ =	shalt  }
0x83: {  	_ =	shalt  }
0x84: {  	_ =	shalt  }
0x85: {  	_ =	shalt  }
0x86: {  	_ =	shalt  }
0x87: {  	_ =	shalt  }
.Lfunc_end0:
.L_simem_size_0:
called_computation_lowered:
.L_overlay_start_0:
0x88: {  	s2 =	sld [smem:$0x3FD9]  }
0x89: {  	s3 =	sld [smem:$0x3FFE];
	_ =	sdelay $0x1  }
0x8a: {  	s1 =	srdreg.scid  }
0x8b: {  	s0 =	sand.u32 $0x1, s1  }
0x8c: {  	s16 =	sshll.u32 s0, $0xA;
	s2 =	sadd.s32 s3, s2  }
0x8d: {  	s2 =	sadd.s32 s2, s16  }
0x8e: {  	[smem:$0x3FC2] =	sst s2  }
0x8f: {  	_ = 	snop  }
0x90: {  	(tm) =	ssettm $0x1  }
0x91: {  	s17 =	sld [smem:$0x3FFB];
	_ =	sdelay $0x3  }
0x92: {  	_ =	strace s17  }
0x93: {  	s2 =	sld [smem:$0x3FFC];
	_ =	sdelay $0x3  }
0x94: {  	_ =	strace s2  }
0x95: {  	s2 =	sld [smem:$0x3FFD];
	_ =	sdelay $0x3  }
0x96: {  	_ =	strace s2  }
0x97: {  	_ =	strace $0x8FFFFFFF  }
0x98: {  	s18 =	sld [smem:$0x3FDB];
	_ =	sdelay $0x1  }
0x99: {  	s19 =	simm.s32 $_scs_section_size  }
0x9a: {  	s4 =	simm.s32 $_size__tile_overlayer_lowered;
	s5 =	simm.s32 $_tile_overlayer_lowered  }
0x9b: {  	s22 =	simm.s32 $0x1BFF;
	s21 =	sshll.u32 s5, $0x1;
	s2 =	sadd.s32 s19, s18  }
0x9c: {  	s6 =	simm.s32 $0x0;
	s20 =	sshll.u32 s4, $0x1;
	s4 =	sadd.s32 s21, s2  }
0x9d: {  	[timem:s6], [sflag:s22] =	dma.local [hbm:s4], s20  }
0x9e: {  	_ =	swait.ge [sflag:s22], s20  }
0x9f: {  	s3 =	ssub.s32 $0x0, s20;
	[sflag:s22] =	ssyncset.done $0x0  }
0xa0: {  	[sflag:s22] =	ssyncadd.s32 s3;
	_ =	sdelay $0x1  }
0xa1: {  	s23 =	simm.s32 $0x1B8B  }
0xa2: {  	_ =	swait.ge [sflag:s23], $0x1  }
0xa3: {  	[sflag:s23] =	ssyncset.done $0x0  }
0xa4: {  	s25 =	simm.s32 $0x1B8E;
	s24 =	sld [smem:$0x3FFE];
	[sflag:s23] =	ssyncadd.s32 $0xFFFFFFFF  }
0xa5: {  	s26 =	simm.s32 $execute0_lowered;
	[smem:$0x3FD2] =	sst s25  }
0xa6: {  	s4 =	sshll.u32 s26, $0x1;
	_ =	strace $0x80000046;
	[dreg:$0x1] =	wrdreg $0xFFFFFFFF  }
0xa7: {  	s28 =	simm.s32 $_size_execute0_lowered;
	s2 =	sadd.s32 s2, s4;
	[dreg:$0x0] =	wrdreg $0x0  }
0xa8: {  	s4 =	sshll.u32 s28, $0x1;
	[dreg:$0x2] =	wrdreg s2  }
0xa9: {  	[dreg:$0x3] =	wrdreg s4  }
0xaa: {  	[dreg:$0x4] =	wrdreg $0xC0  }
0xab: {  	_ =	task [dreg:s6], $0x5FFFF  }
0xac: {  	[dreg:$0x1] =	wrdreg $0xFFFFFFFF  }
0xad: {  	[dreg:$0x0] =	wrdreg $0x60  }
0xae: {  	[dreg:$0x2] =	wrdreg s24  }
0xaf: {  	[dreg:$0x3] =	wrdreg $0xB0000  }
0xb0: {  	[dreg:$0x4] =	wrdreg $0x9  }
0xb1: {  	_ =	task.clear_ibuf [dreg:s6], $0x5FFFF;
	_ =	strace $0x90000046  }
0xb2: {  	s29 =	simm.s32 $0x9;
	_ =	strace $0x80000048  }
0xb3: {  	_ =	swait.ge [sflag:s29], $0x1  }
0xb4: {  	[sflag:s29] =	ssyncadd.s32 $0xFFFFFFFF  }
0xb5: {  	_ =	strace $0x90000048  }
0xb6: {  	_ =	sfence  }
0xb7: {  	s30 =	sld [smem:$0x0];
	_ =	sdelay $0x2  }
0xb8: {  	s31 =	sshll.u32 s1, $0xD;
	s1 =	sshrl.u32 s1, $0x2  }
0xb9: {  	s3 =	sand.u32 $0x4000, s31;
	s1 =	sadd.s32 s1, s30  }
0xba: {  	s0 =	sor.u32 s3, s0;
	s1 =	sshll.u32 s1, $0x11  }
0xbb: {  	s0 =	sor.u32 s1, s0  }
0xbc: {  	s0 =	sadd.s32 $0x8F2B, s0  }
0xbd: {  	[sflag:s0] =	ssyncadd.remote.s32 $0x1  }
0xbe: {  	_ =	sfence.sel $0xFFFF  }
0xbf: {  	[dreg:$0x0] =	wrdreg $0xFFFFFFFF;
	(pc) =	sbr.abs _section_cstart, $3  }
0xc0: {  	[dreg:$0x1] =	wrdreg $0xFFFFFFFF  }
0xc1: {  	_ =	task.clear_ibuf [dreg:s6], $0x2FFFF;
	_ =	strace $0x9FFFFFFF  }
0xc2: {  	(tm) =	ssettm $0x7FFFFFFF  }
0xc3: {  	_ =	shalt  }
tec
execute0_lowered:
.L_overlay_start_1:
0x0: {  	(tag) =	ssettag $0x1  }
0x1: {  	s0 =	srdreg.scid  }
0x2: {  	s8 =	stileid.u32;
	s5 =	rddreg [dreg:$0x0]  }
0x3: {  	s2 =	rddreg [dreg:$0x1];
	s3 =	simm.s32 $0x0;
	s14 =	simm.s32 $0xA000  }
0x4: {  	s15 =	simm.s32 $0xB;
	s16 =	simm.s32 $0x2800;
	s17 =	simm.s32 $0x80  }
0x5: {  	s18 =	simm.s32 $0x5000;
	s23 =	simm.s32 $0x8000;
	s28 =	simm.s32 $0x9000  }
0x6: {  	s29 =	simm.s32 $0x2;
	s30 =	simm.s32 $0x6;
	s31 =	simm.s32 $0x4  }
0x7: {  	s0 =	sand.u32 $0x1, s0;
	[smem:$0x7FF] =	sst s3;
	s7 =	smul.u32 $0xA000, s8  }
0x8: {  	s4 =	sadd.s32 $0x15600, s5;
	s1 =	sshll.u32 s0, $0x4;
	s6 =	smul.u32 $0xA0000, s0  }
0x9: {  	s0 =	ssub.s32 $0x2, s0;
	s1 =	sor.u32 s8, s1;
	s8 =	smul.u32 $0x14000, s8  }
0xa: {  	_ =	strace $0x80000047;
	s9 =	sshrl.u32 s0, $0x1;
	s1 =	smul.u32 $0x2800, s1  }
0xb: {  	s6 =	sadd.s32 s7, s6;
	s0 =	ssub.s32 s0, s9;
	s7 =	sshrl.u32 s7, $0x1  }
0xc: {  	s6 =	sshrl.u32 s6, $0x4;
	s19 =	sshrl.u32 s8, $0x2;
	s22 =	sadd.s32 s7, s2  }
0xd: {  	s0 =	smax.u32 s0, $0x1;
	s1 =	sshrl.u32 s1, $0x3;
	s6 =	sadd.s32 s6, s5  }
0xe: {  	[dreg:$0x6] =	wrdreg s0;
	s1 =	sadd.s32 s1, s5;
	s21 =	sadd.s32 $0x1F600, s6  }
0xf: {  	s0 =	simm.s32 $0x3;
	s20 =	sadd.s32 $0x1600, s1;
	[dreg:$0x5] =	wrdreg s21  }
0x10: {  	s5 =	sadd.s32 s19, s2;
	s1 =	sadd.s32 $0xB600, s1;
	[dreg:$0x3] =	wrdreg s20  }
0x11: {  	s19 =	simm.s32 $0x6000;
	s24 =	sadd.s32 $0x1000, s5;
	[dreg:$0x4] =	wrdreg s1  }
.Ltmp0:
0x12: {  	s25 =	sadd.s32 $0x2000, s5;
	[dreg:$0x7] =	wrdreg s24;
	(pc) =	sbr.rel .LBB2_1-.Ltmp0, $4  }
0x13: {  	s6 =	simm.s32 $0xA;
	s26 =	sadd.s32 $0x3000, s5;
	[dreg:$0x8] =	wrdreg s25  }
0x14: {  	s13 =	sadd.s32 $0x4000, s5;
	s21 =	simm.s32 $0x7000;
	[dreg:$0x9] =	wrdreg s26  }
0x15: {  	s24 =	simm.s32 $0x1;
	s25 =	sshrl.u32 s22, $0x3;
	s20 =	simm.s32 $0x7  }
0x16: {  	v0 =	vimm.bf16 $0.0e+00;
	s1 =	simm.s32 $0x8;
	s22 =	simm.s32 $0x5;
	s26 =	simm.s32 $0x9  }
.LBB2_6:
0x17: {  	[spmem:s2] =	stream.indirect.scatter.add.bf16 [tilespmem:s23], [sflag:$0x9], $0x20, s9, s17, $0xb8;
	[tilespmem:$0x10000] =	vst v63  }
0x18: {  	_ =	swait.ge [sflag:s22], $0x1000  }
0x19: {  	[sflag:s22] =	ssyncset.done $0x0  }
0x1a: {  	[sflag:s22] =	ssyncadd.s32 $0xFFFFF000  }
0x1b: {  	_ =	swait.ge [sflag:s26], $0x1000  }
0x1c: {  	[sflag:s26] =	ssyncset.done $0x0  }
0x1d: {  	s7 =	sadd.s32 $0x2C80, s8;
	[sflag:s26] =	ssyncadd.s32 $0xFFFFF000  }
0x1e: {  	[spmem:s2] =	stream.indirect.scatter.add.bf16 [tilespmem:s28], [sflag:$0xA], $0x20, s7, s17, $0xb8;
	[tilespmem:$0x10000] =	vst v63  }
0x1f: {  	_ =	swait.ge [sflag:s6], $0x1000  }
0x20: {  	[sflag:s6] =	ssyncset.done $0x0  }
0x21: {  	s10 =	stileid.u32;
	[sflag:s6] =	ssyncadd.s32 $0xFFFFF000  }
0x22: {  	s7 =	sshll.u32 s10, $0x6;
	[bflag:$0x0] =	sbarrier.arrive $0xFFFF  }
0x23: {  	s7 =	sor.u32 $0x1C0B, s7;
	s11 =	rddreg [dreg:$0x5]  }
0x24: {  	[hbm:s11], [sflag:s7] =	dma.local [spmem:s25], $0xA00  }
0x25: {  	_ =	swait.ge [sflag:s15], $0xA00  }
0x26: {  	s3 =	sadd.s32 $0x1, s3;
	s12 =	rddreg [dreg:$0x6]  }
0x27: {  	p0 =	sne.s32 s3, s12  }
.Ltmp1:
0x28: {  	_ = 	snop;
	(pc) =	sbr.rel @!p0 .LBB2_7-.Ltmp1, $3  }
0x29: {  	_ =	sdelay $0x1  }
0x2a: {  	[sflag:s15] =	ssyncset.done $0x0  }
0x2b: {  	[sflag:s15] =	ssyncadd.s32 $0xFFFFF600  }
.LBB2_1:
0x2c: {  	s7 =	simm.s32 $0x80;
	s8 =	simm.s32 $0x0  }
.LBB2_2:
0x2d: {  	p0 =	sne.s32 s7, $0x3F80;
	[tilespmem:s8+$0xA000] =	vst v0;
	s9 =	smov.u32 s7;
	s7 =	sadd.s32 $0x80, s7  }
.Ltmp2:
0x2e: {  	[tilespmem:s8+$0xA010] =	vst v0;
	(pc) =	sbr.rel @p0 .LBB2_2-.Ltmp2, $2  }
0x2f: {  	_ =	sdelay $0x2  }
0x30: {  	s8 =	sshra.s32 s9, $0x2  }
0x31: {  	[tilespmem:s8+$0xA000] =	vst v0  }
0x32: {  	[tilespmem:s8+$0xA010] =	vst v0  }
0x33: {  	[spmem:s5] =	stream.linear.scatter [tilespmem:s14], [sflag:$0xB], $0x1000, $0x38;
	[tilespmem:$0x10000] =	vst v63  }
0x34: {  	_ =	swait.ge [sflag:s15], $0x1000  }
0x35: {  	[sflag:s15] =	ssyncset.done $0x0  }
0x36: {  	s7 =	rddreg [dreg:$0x7];
	[sflag:s15] =	ssyncadd.s32 $0xFFFFF000  }
0x37: {  	[spmem:s7] =	stream.linear.scatter [tilespmem:s14], [sflag:$0xB], $0x1000, $0x38;
	[tilespmem:$0x10000] =	vst v63  }
0x38: {  	_ =	swait.ge [sflag:s15], $0x1000  }
0x39: {  	[sflag:s15] =	ssyncset.done $0x0  }
0x3a: {  	s10 =	rddreg [dreg:$0x8];
	[sflag:s15] =	ssyncadd.s32 $0xFFFFF000  }
0x3b: {  	[spmem:s10] =	stream.linear.scatter [tilespmem:s14], [sflag:$0xB], $0x1000, $0x38;
	[tilespmem:$0x10000] =	vst v63  }
0x3c: {  	_ =	swait.ge [sflag:s15], $0x1000  }
0x3d: {  	[sflag:s15] =	ssyncset.done $0x0  }
0x3e: {  	s11 =	rddreg [dreg:$0x9];
	[sflag:s15] =	ssyncadd.s32 $0xFFFFF000  }
0x3f: {  	[spmem:s11] =	stream.linear.scatter [tilespmem:s14], [sflag:$0xB], $0x1000, $0x38;
	[tilespmem:$0x10000] =	vst v63  }
0x40: {  	_ =	swait.ge [sflag:s15], $0x1000  }
0x41: {  	[sflag:s15] =	ssyncset.done $0x0  }
0x42: {  	[sflag:s15] =	ssyncadd.s32 $0xFFFFF000  }
0x43: {  	[spmem:s13] =	stream.linear.scatter [tilespmem:s14], [sflag:$0xB], $0x1000, $0x38;
	[tilespmem:$0x10000] =	vst v63  }
0x44: {  	_ =	swait.ge [sflag:s15], $0x1000  }
0x45: {  	[sflag:s15] =	ssyncset.done $0x0  }
0x46: {  	s7 =	simm.s32 $0x0;
	s12 =	rddreg [dreg:$0x3];
	[sflag:s15] =	ssyncadd.s32 $0xFFFFF000  }
0x47: {  	[tilespmem:s7], [sflag:$0xB] =	stream.linear.gather [hbm4b:s12+s7], $0x2800, $0x38;
	[tilespmem:$0x10000] =	vst v63  }
0x48: {  	_ =	swait.ge [sflag:s15], $0x2800  }
0x49: {  	[sflag:s15] =	ssyncset.done $0x0  }
0x4a: {  	s9 =	rddreg [dreg:$0x4];
	[sflag:s15] =	ssyncadd.s32 $0xFFFFD800  }
0x4b: {  	[tilespmem:s16], [sflag:$0xB] =	stream.linear.gather [hbm4b:s9+s7], $0x2800, $0x38;
	[tilespmem:$0x10000] =	vst v63  }
0x4c: {  	_ =	swait.ge [sflag:s15], $0x2800  }
0x4d: {  	[sflag:s15] =	ssyncset.done $0x0  }
0x4e: {  	[sflag:s15] =	ssyncadd.s32 $0xFFFFD800  }
0x4f: {  	[bflag:$0x0] =	sbarrier.arrive $0xFFFF  }
0x50: {  	[tilespmem:s18], [sflag:$0x1] =	stream.indirect.gather [hbm4b:s4+s17], $0x20, s7, s17, $0xb8;
	[tilespmem:$0x10000] =	vst v63  }
0x51: {  	_ = 	snop  }
0x52: {  	[tilespmem:s19], [sflag:$0x2] =	stream.indirect.gather [hbm4b:s4+s17], $0x20, s17, s17, $0xb8;
	[tilespmem:$0x10000] =	vst v63  }
0x53: {  	s10 =	simm.s32 $0x100  }
0x54: {  	[tilespmem:s21], [sflag:$0x3] =	stream.indirect.gather [hbm4b:s4+s17], $0x20, s10, s17, $0xb8;
	[tilespmem:$0x10000] =	vst v63  }
0x55: {  	s11 =	simm.s32 $0x180  }
0x56: {  	[tilespmem:s23], [sflag:$0x4] =	stream.indirect.gather [hbm4b:s4+s17], $0x20, s11, s17, $0xb8;
	[tilespmem:$0x10000] =	vst v63  }
0x57: {  	_ =	swait.ge [sflag:s24], $0x1000  }
0x58: {  	[sflag:s24] =	ssyncset.done $0x0  }
0x59: {  	s12 =	simm.s32 $0x200;
	[sflag:s24] =	ssyncadd.s32 $0xFFFFF000  }
0x5a: {  	[tilespmem:s28], [sflag:$0x5] =	stream.indirect.gather [hbm4b:s4+s17], $0x20, s12, s17, $0xb8;
	[tilespmem:$0x10000] =	vst v63  }
0x5b: {  	_ = 	snop  }
0x5c: {  	[spmem:s2] =	stream.indirect.scatter.add.bf16 [tilespmem:s18], [sflag:$0x6], $0x20, s16, s17, $0xb8;
	[tilespmem:$0x10000] =	vst v63  }
0x5d: {  	_ =	swait.ge [sflag:s29], $0x1000  }
0x5e: {  	[sflag:s29] =	ssyncset.done $0x0  }
0x5f: {  	[sflag:s29] =	ssyncadd.s32 $0xFFFFF000  }
0x60: {  	_ =	swait.ge [sflag:s30], $0x1000  }
0x61: {  	[sflag:s30] =	ssyncset.done $0x0  }
0x62: {  	s9 =	simm.s32 $0x280;
	[sflag:s30] =	ssyncadd.s32 $0xFFFFF000  }
0x63: {  	[tilespmem:s18], [sflag:$0x1] =	stream.indirect.gather [hbm4b:s4+s17], $0x20, s9, s17, $0xb8;
	[tilespmem:$0x10000] =	vst v63  }
0x64: {  	s10 =	simm.s32 $0x2880  }
0x65: {  	[spmem:s2] =	stream.indirect.scatter.add.bf16 [tilespmem:s19], [sflag:$0x7], $0x20, s10, s17, $0xb8;
	[tilespmem:$0x10000] =	vst v63  }
0x66: {  	_ =	swait.ge [sflag:s0], $0x1000  }
0x67: {  	[sflag:s0] =	ssyncset.done $0x0  }
0x68: {  	[sflag:s0] =	ssyncadd.s32 $0xFFFFF000  }
0x69: {  	_ =	swait.ge [sflag:s20], $0x1000  }
0x6a: {  	[sflag:s20] =	ssyncset.done $0x0  }
0x6b: {  	s11 =	simm.s32 $0x300;
	[sflag:s20] =	ssyncadd.s32 $0xFFFFF000  }
0x6c: {  	[tilespmem:s19], [sflag:$0x2] =	stream.indirect.gather [hbm4b:s4+s17], $0x20, s11, s17, $0xb8;
	[tilespmem:$0x10000] =	vst v63  }
0x6d: {  	s12 =	simm.s32 $0x2900  }
0x6e: {  	[spmem:s2] =	stream.indirect.scatter.add.bf16 [tilespmem:s21], [sflag:$0x8], $0x20, s12, s17, $0xb8;
	[tilespmem:$0x10000] =	vst v63  }
0x6f: {  	_ =	swait.ge [sflag:s31], $0x1000  }
0x70: {  	[sflag:s31] =	ssyncset.done $0x0  }
0x71: {  	[sflag:s31] =	ssyncadd.s32 $0xFFFFF000  }
0x72: {  	_ =	swait.ge [sflag:s1], $0x1000  }
0x73: {  	[sflag:s1] =	ssyncset.done $0x0  }
0x74: {  	s9 =	simm.s32 $0x380;
	[sflag:s1] =	ssyncadd.s32 $0xFFFFF000  }
0x75: {  	[tilespmem:s21], [sflag:$0x3] =	stream.indirect.gather [hbm4b:s4+s17], $0x20, s9, s17, $0xb8;
	[tilespmem:$0x10000] =	vst v63  }
0x76: {  	s10 =	simm.s32 $0x2980  }
0x77: {  	[spmem:s2] =	stream.indirect.scatter.add.bf16 [tilespmem:s23], [sflag:$0x9], $0x20, s10, s17, $0xb8;
	[tilespmem:$0x10000] =	vst v63  }
0x78: {  	_ =	swait.ge [sflag:s22], $0x1000  }
0x79: {  	[sflag:s22] =	ssyncset.done $0x0  }
0x7a: {  	[sflag:s22] =	ssyncadd.s32 $0xFFFFF000  }
0x7b: {  	_ =	swait.ge [sflag:s26], $0x1000  }
0x7c: {  	[sflag:s26] =	ssyncset.done $0x0  }
0x7d: {  	s11 =	simm.s32 $0x400;
	[sflag:s26] =	ssyncadd.s32 $0xFFFFF000  }
0x7e: {  	[tilespmem:s23], [sflag:$0x4] =	stream.indirect.gather [hbm4b:s4+s17], $0x20, s11, s17, $0xb8;
	[tilespmem:$0x10000] =	vst v63  }
0x7f: {  	s12 =	simm.s32 $0x2A00  }
0x80: {  	[spmem:s2] =	stream.indirect.scatter.add.bf16 [tilespmem:s28], [sflag:$0xA], $0x20, s12, s17, $0xb8;
	[tilespmem:$0x10000] =	vst v63  }
.LBB2_4:
0x81: {  	_ =	swait.ge [sflag:s24], $0x1000  }
0x82: {  	[sflag:s24] =	ssyncset.done $0x0  }
0x83: {  	[sflag:s24] =	ssyncadd.s32 $0xFFFFF000  }
0x84: {  	_ =	swait.ge [sflag:s6], $0x1000  }
0x85: {  	s8 =	sshra.s32 s7, $0x2;
	[sflag:s6] =	ssyncset.done $0x0  }
0x86: {  	s9 =	sadd.s32 $0x480, s8;
	[sflag:s6] =	ssyncadd.s32 $0xFFFFF000  }
0x87: {  	[tilespmem:s28], [sflag:$0x5] =	stream.indirect.gather [hbm4b:s4+s17], $0x20, s9, s17, $0xb8;
	[tilespmem:$0x10000] =	vst v63  }
0x88: {  	s11 =	sadd.s32 $0x2A80, s8  }
0x89: {  	[spmem:s2] =	stream.indirect.scatter.add.bf16 [tilespmem:s18], [sflag:$0x6], $0x20, s11, s17, $0xb8;
	[tilespmem:$0x10000] =	vst v63  }
0x8a: {  	_ =	swait.ge [sflag:s29], $0x1000  }
0x8b: {  	[sflag:s29] =	ssyncset.done $0x0  }
0x8c: {  	[sflag:s29] =	ssyncadd.s32 $0xFFFFF000  }
0x8d: {  	p0 =	seq.s32 s7, $0x8C00;
	_ =	swait.ge [sflag:s30], $0x1000  }
0x8e: {  	s10 =	simm.s32 @p0 $0x80;
	s9 =	sshra.s32 @p0 s7, $0x2;
	[sflag:s30] =	ssyncset.done $0x0  }
0x8f: {  	s9 =	sadd.s32 @p0 $0x2B00, s9;
	s11 =	simm.s32 @p0 $0x6000;
	[sflag:s30] =	ssyncadd.s32 $0xFFFFF000  }
0x90: {  	[spmem:s2] =	stream.indirect.scatter.add.bf16 @p0 [tilespmem:s11], [sflag:$0x7], $0x20, s9, s10, $0xb8;
	[tilespmem:$0x10000] =	vst v63  }
0x91: {  	s9 =	simm.s32 @p0 $0x3  }
0x92: {  	_ =	swait.ge @p0 [sflag:s9], $0x1000  }
0x93: {  	[sflag:s9] =	ssyncset.done @p0 $0x0  }
0x94: {  	[sflag:s9] =	ssyncadd.s32 @p0 $0xFFFFF000;
	s9 =	simm.s32 @p0 $0x7  }
0x95: {  	_ =	swait.ge @p0 [sflag:s9], $0x1000  }
0x96: {  	[sflag:s9] =	ssyncset.done @p0 $0x0  }
0x97: {  	[sflag:s9] =	ssyncadd.s32 @p0 $0xFFFFF000;
	s9 =	sshra.s32 @!p0 s7, $0x2  }
0x98: {  	s12 =	simm.s32 @!p0 $0x5000;
	s11 =	simm.s32 @!p0 $0x80;
	s10 =	sadd.s32 @!p0 $0x500, s9  }
0x99: {  	[tilespmem:s12], [sflag:$0x1] =	stream.indirect.gather @!p0 [hbm4b:s4+s11], $0x20, s10, s11, $0xb8;
	[tilespmem:$0x10000] =	vst v63  }
0x9a: {  	s10 =	sadd.s32 @!p0 $0x2B00, s9;
	s12 =	simm.s32 @!p0 $0x6000  }
0x9b: {  	[spmem:s2] =	stream.indirect.scatter.add.bf16 @!p0 [tilespmem:s12], [sflag:$0x7], $0x20, s10, s11, $0xb8;
	[tilespmem:$0x10000] =	vst v63  }
0x9c: {  	s10 =	simm.s32 @!p0 $0x3  }
0x9d: {  	_ =	swait.ge @!p0 [sflag:s10], $0x1000  }
0x9e: {  	[sflag:s10] =	ssyncset.done @!p0 $0x0  }
0x9f: {  	[sflag:s10] =	ssyncadd.s32 @!p0 $0xFFFFF000;
	s10 =	simm.s32 @!p0 $0x7  }
0xa0: {  	_ =	swait.ge @!p0 [sflag:s10], $0x1000  }
0xa1: {  	[sflag:s10] =	ssyncset.done @!p0 $0x0  }
0xa2: {  	s9 =	sadd.s32 @!p0 $0x580, s9;
	[sflag:s10] =	ssyncadd.s32 @!p0 $0xFFFFF000  }
0xa3: {  	[tilespmem:s12], [sflag:$0x2] =	stream.indirect.gather @!p0 [hbm4b:s4+s11], $0x20, s9, s11, $0xb8;
	[tilespmem:$0x10000] =	vst v63  }
0xa4: {  	s12 =	sadd.s32 $0x2B80, s8  }
0xa5: {  	[spmem:s2] =	stream.indirect.scatter.add.bf16 [tilespmem:s21], [sflag:$0x8], $0x20, s12, s17, $0xb8;
	[tilespmem:$0x10000] =	vst v63  }
0xa6: {  	_ =	swait.ge [sflag:s31], $0x1000  }
.Ltmp3:
0xa7: {  	[sflag:s31] =	ssyncset.done $0x0;
	(pc) =	sbr.rel @p0 .LBB2_6-.Ltmp3, $4  }
0xa8: {  	[sflag:s31] =	ssyncadd.s32 $0xFFFFF000  }
0xa9: {  	_ =	swait.ge [sflag:s1], $0x1000  }
0xaa: {  	[sflag:s1] =	ssyncset.done $0x0  }
0xab: {  	s9 =	sadd.s32 $0x2C00, s8;
	[sflag:s1] =	ssyncadd.s32 $0xFFFFF000  }
0xac: {  	s10 =	sadd.s32 $0x600, s8  }
0xad: {  	[tilespmem:s21], [sflag:$0x3] =	stream.indirect.gather [hbm4b:s4+s17], $0x20, s10, s17, $0xb8;
	[tilespmem:$0x10000] =	vst v63  }
0xae: {  	_ = 	snop  }
0xaf: {  	[spmem:s2] =	stream.indirect.scatter.add.bf16 [tilespmem:s23], [sflag:$0x9], $0x20, s9, s17, $0xb8;
	[tilespmem:$0x10000] =	vst v63  }
0xb0: {  	_ =	swait.ge [sflag:s22], $0x1000  }
0xb1: {  	[sflag:s22] =	ssyncset.done $0x0  }
0xb2: {  	[sflag:s22] =	ssyncadd.s32 $0xFFFFF000  }
0xb3: {  	_ =	swait.ge [sflag:s26], $0x1000  }
.Ltmp4:
0xb4: {  	[sflag:s26] =	ssyncset.done $0x0;
	(pc) =	sbr.rel .LBB2_4-.Ltmp4, $4  }
0xb5: {  	s11 =	sadd.s32 $0x680, s8;
	[sflag:s26] =	ssyncadd.s32 $0xFFFFF000  }
0xb6: {  	[tilespmem:s23], [sflag:$0x4] =	stream.indirect.gather [hbm4b:s4+s17], $0x20, s11, s17, $0xb8;
	[tilespmem:$0x10000] =	vst v63  }
0xb7: {  	s12 =	sadd.s32 $0x2C80, s8;
	s7 =	sadd.s32 $0xA00, s7  }
0xb8: {  	[spmem:s2] =	stream.indirect.scatter.add.bf16 [tilespmem:s28], [sflag:$0xA], $0x20, s12, s17, $0xb8;
	[tilespmem:$0x10000] =	vst v63  }
.LBB2_7:
0xb9: {  	_ =	sfence.sel $0x180000  }
0xba: {  	[bflag:$0x0] =	sbarrier.arrive $0xFFFF  }
0xbb: {  	_ =	strace $0x90000047  }
0xbc: {  	s0 =	stileid.u32;
	[bflag:$0x2] =	sbarrier.arrive $0xFFFF  }
0xbd: {  	p0 =	sne.s32 s0, $0x0;
	s0 =	rddreg [dreg:$0x2]  }
0xbe: {  	s0 =	sadd.s32 @!p0 $0x100000, s0  }
0xbf: {  	[sflag:s0] =	ssyncadd.tile.s32 @!p0 $0x1;
	_ =	shalt  }
.Lfunc_end2:
_tile_overlayer_lowered:
.L_overlay_start_2:
0xc0: {  	(tag) =	ssettag $0x2  }
0xc1: {  	s0 =	rddreg [dreg:$0x0];
	s2 =	stileid.u32  }
0xc2: {  	s1 =	rddreg [dreg:$0x1];
	p0 =	sne.s32 s2, $0x0  }
0xc3: {  	s3 =	rddreg [dreg:$0x2];
	[bflag:$0x3] =	sbarrier.arrive $0xFFFF;
	s2 =	simm.s32 @!p0 $0x1C0B  }
0xc4: {  	[timem:s3], [sflag:s2] =	dma.local @!p0 [hbm:s0], s1  }
0xc5: {  	s0 =	simm.s32 @!p0 $0xB  }
0xc6: {  	_ =	swait.ge @!p0 [sflag:s0], s1  }
0xc7: {  	s1 =	ssub.s32 @!p0 $0x0, s1;
	[sflag:s0] =	ssyncset.done @!p0 $0x0  }
0xc8: {  	[sflag:s0] =	ssyncadd.s32 @!p0 s1  }
0xc9: {  	[bflag:$0x3] =	sbarrier.arrive $0xFFFF  }
0xca: {  	_ =	shalt  }

</sc_bundles>
